<compile_context>
chip_gen: v7x
topology: tpu7x:2x2x1
jax: 0.10.2.dev20260603
libtpu: 0.0.44.dev20260713+nightly
codegen_flags: <defaults>
</compile_context>

<pallas_src>
import functools

import jax
import jax.numpy as jnp
from jax import lax
from jax.experimental import pallas as pl
from jax.experimental.pallas import tpu as pltpu
from jax.experimental.pallas import tpu_sc as plsc

LANES = 16


def _make_sc_kernel(N, T, D, B, L, NC, NS):
    NW = NC * NS
    assert D == NW, "one subcore per embedding-dim column"
    BBLK = 128
    n_bblk = B // BBLK
    assert B % BBLK == 0 and n_bblk >= 2 and n_bblk % 2 == 0
    assert B % (NS * 8) == 0
    SSLC = B // NS
    LPAD = (L + 7) // 8 * 8

    mesh = plsc.VectorSubcoreMesh(
        core_axis_name="c", subcore_axis_name="s", num_cores=NC, num_subcores=NS
    )

    @functools.partial(
        pl.kernel,
        out_type=jax.ShapeDtypeStruct((T, D, B), jnp.float32),
        mesh=mesh,
        compiler_params=pltpu.CompilerParams(needs_layout_passes=False),
        scratch_types=[
            pltpu.VMEM((N,), jnp.float32),
            pltpu.VMEM((2, LPAD, BBLK), jnp.int32),
            pltpu.VMEM((LPAD, SSLC), jnp.int32),
            pltpu.VMEM((B,), jnp.float32),
            pltpu.VMEM_SHARED((2 * LPAD, B), jnp.int32),
            pltpu.SemaphoreType.DMA,
            pltpu.SemaphoreType.DMA((2,)),
            pltpu.SemaphoreType.DMA,
            pltpu.SemaphoreType.DMA,
        ],
    )
    def sc_kernel(
        w_hbm, idx_hbm, out_hbm, slab_v, idx_v, stage_v, acc_v, idx_sh,
        sem_slab, sem_idx, sem_stage, sem_acc
    ):
        s = lax.axis_index("s")
        d = s * NC + lax.axis_index("c")
        sb0 = s * SSLC

        def idx_src(t, blk):
            row0 = (t % 2) * LPAD
            return idx_sh.at[pl.ds(row0, LPAD), pl.ds(blk * BBLK, BBLK)]

        def stage_hbm_src(t):
            return idx_hbm.at[t, :, pl.ds(sb0, SSLC)]

        def stage_dst(t):
            row0 = (t % 2) * LPAD
            return idx_sh.at[pl.ds(row0, LPAD), pl.ds(sb0, SSLC)]

        pltpu.sync_copy(stage_hbm_src(0), stage_v)
        pltpu.sync_copy(stage_v, stage_dst(0))
        plsc.subcore_barrier()

        def t_body(t, carry):
            slab_desc = pltpu.async_copy(w_hbm.at[t, d, :], slab_v, sem_slab)
            pltpu.async_copy(idx_src(t, 0), idx_v.at[0], sem_idx.at[0])

            @pl.when(t + 1 < T)
            def _():
                pltpu.async_copy(stage_hbm_src(t + 1), stage_v, sem_stage)

            slab_desc.wait()

            @pl.when(t >= 1)
            def _():
                pltpu.make_async_copy(
                    acc_v, out_hbm.at[t - 1, d, :], sem_acc
                ).wait()

            def blk_body(blk, c):
                cur = blk % 2
                nxt = (blk + 1) % 2

                @pl.when(blk < n_bblk - 1)
                def _():
                    pltpu.async_copy(
                        idx_src(t, blk + 1), idx_v.at[nxt], sem_idx.at[nxt]
                    )

                pltpu.make_async_copy(
                    idx_src(t, blk), idx_v.at[cur], sem_idx.at[cur]
                ).wait()
                b0 = blk * BBLK

                def bv_body(bv, c2):
                    col = bv * LANES
                    acc0 = plsc.load_gather(
                        slab_v, [idx_v[cur, 0, pl.ds(col, LANES)]]
                    )
                    acc1 = plsc.load_gather(
                        slab_v, [idx_v[cur, 1, pl.ds(col, LANES)]]
                    )
                    for l in range(2, L, 2):
                        acc0 = acc0 + plsc.load_gather(
                            slab_v, [idx_v[cur, l, pl.ds(col, LANES)]]
                        )
                        acc1 = acc1 + plsc.load_gather(
                            slab_v, [idx_v[cur, l + 1, pl.ds(col, LANES)]]
                        )
                    acc_v[pl.ds(b0 + col, LANES)] = acc0 + acc1
                    return c2

                lax.fori_loop(0, BBLK // LANES, bv_body, 0, unroll=2)
                return c

            lax.fori_loop(0, n_bblk, blk_body, 0)
            pltpu.async_copy(acc_v, out_hbm.at[t, d, :], sem_acc)

            @pl.when(t + 1 < T)
            def _():
                pltpu.make_async_copy(
                    stage_hbm_src(t + 1), stage_v, sem_stage
                ).wait()
                pltpu.sync_copy(stage_v, stage_dst(t + 1))

            plsc.subcore_barrier()
            return carry

        lax.fori_loop(0, T, t_body, 0)
        pltpu.make_async_copy(acc_v, out_hbm.at[T - 1, d, :], sem_acc).wait()

    return sc_kernel


def kernel(embedding_weights, sharded_sparse_features):
    N, T, D = embedding_weights.shape
    B, T2, L = sharded_sparse_features.shape
    assert T2 == T

    try:
        info = plsc.get_sparse_core_info()
        NC, NS = info.num_cores, info.num_subcores
    except Exception:
        NC, NS = 2, 16

    wt = jnp.transpose(embedding_weights, (1, 2, 0))
    it = jnp.transpose(sharded_sparse_features.astype(jnp.int32), (1, 2, 0))
    lpad = (L + 7) // 8 * 8
    it = jnp.pad(it, ((0, 0), (0, lpad - L), (0, 0)))

    sc_kernel = _make_sc_kernel(N, T, D, B, L, NC, NS)
    out_t = sc_kernel(wt, it)
    return jnp.transpose(out_t, (2, 0, 1))

# --- scband reference (transcript-rebuilt; emitter-appended) ---
"""Pipeline reference for scband-uniform-sharded-embedding-bags-16149077033312 (READ-ONLY COPY).

The authoritative reference and input builder live on the scoring server;
editing this copy changes nothing except your own understanding.
"""

import jax, jax.numpy as jnp
import numpy as np

NUM_TABLES = 26
NUM_EMBEDDINGS = 100000
EMBEDDING_DIM = 32
BATCH = 4096
BAG_SIZE = 20


def setup_inputs(seed: int = 0) -> dict:
    key = jax.random.key(seed)
    k_w, k_idx = jax.random.split(key)
    embedding_weights = jax.random.normal(
        k_w, (NUM_EMBEDDINGS, NUM_TABLES, EMBEDDING_DIM), dtype=jnp.float32
    )
    sharded_sparse_features = jax.random.randint(
        k_idx, (BATCH, NUM_TABLES, BAG_SIZE), 0, NUM_EMBEDDINGS, dtype=jnp.int64
    )
    return {
        "embedding_weights": embedding_weights,
        "sharded_sparse_features": sharded_sparse_features,
    }


def reference(embedding_weights, sharded_sparse_features):
    # embedding_weights: [N, T, D]; sharded_sparse_features: [B, T, L]
    # For each table t, gather rows weights[idx[b, t, l], t, :] and sum-pool over bag dim L.
    T = embedding_weights.shape[1]
    table_idx = jnp.arange(T, dtype=sharded_sparse_features.dtype)[None, :, None]  # [1, T, 1]
    gathered = embedding_weights[sharded_sparse_features, table_idx]  # [B, T, L, D]
    pooled = gathered.sum(axis=2)  # [B, T, D]
    return pooled

if __name__ == "__main__":
    import jax
    _d = setup_inputs()
    print(jax.jit(kernel)(*tuple(_d.values())))

</pallas_src>

<mosaic_0001>
#map = affine_map<(d0, d1) -> (0, 0, 0)>
module attributes {stable_mosaic.version = 14 : i64} {
  func.func @sc_kernel(%arg0: i32, %arg1: i32, %arg2: memref<26x32x100000xf32, #tpu.memory_space<hbm>>, %arg3: memref<26x24x4096xi32, #tpu.memory_space<hbm>>, %arg4: memref<26x32x4096xf32, #tpu.memory_space<hbm>>, %arg5: memref<100000xf32, #tpu.memory_space<vmem>>, %arg6: memref<2x24x128xi32, #tpu.memory_space<vmem>>, %arg7: memref<24x256xi32, #tpu.memory_space<vmem>>, %arg8: memref<4096xf32, #tpu.memory_space<vmem>>, %arg9: memref<48x4096xi32, #tpu.memory_space<vmem_shared>>, %arg10: memref<!tpu.dma_semaphore, #tpu.memory_space<semaphore_mem>>, %arg11: memref<2x!tpu.dma_semaphore, #tpu.memory_space<semaphore_mem>>, %arg12: memref<!tpu.dma_semaphore, #tpu.memory_space<semaphore_mem>>, %arg13: memref<!tpu.dma_semaphore, #tpu.memory_space<semaphore_mem>>) attributes {dimension_semantics = [#tpu.dimension_semantics<core_parallel>, #tpu.dimension_semantics<subcore_parallel>], iteration_bounds = array<i64: 2, 16>, scalar_prefetch = 0 : i64, scratch_operands = 9 : i64, tpu.core_type = #tpu.core_type<sc_vector_subcore>, window_params = [{transform_indices = #map}, {transform_indices = #map}, {transform_indices = #map}]} {
    %mul3A = arith.constant 2 : i32
    %mul3A_0 = arith.muli %arg1, %mul3A : i32
    %add3A = arith.addi %mul3A_0, %arg0 : i32
    %mul3A_1 = arith.constant 256 : i32
    %mul3A_2 = arith.muli %arg1, %mul3A_1 : i32
    %run_scoped3A = arith.constant 0 : i32
    "tpu.region"() ({
      %run_scoped3A_14 = tpu.sem_alloc : memref<!tpu.dma_semaphore, #tpu.memory_space<semaphore_mem>>
      %dma_start3A = arith.constant 0 : i32
      %dma_start3A_15 = tpu.memref_slice %arg3[%run_scoped3A, %dma_start3A, %mul3A_2] : memref<26x24x4096xi32, #tpu.memory_space<hbm>> -> memref<1x24x256xi32, #tpu.memory_space<hbm>>
      %dma_start3A_16 = tpu.memref_squeeze %dma_start3A_15 : memref<1x24x256xi32, #tpu.memory_space<hbm>> -> memref<24x256xi32, #tpu.memory_space<hbm>>
      %dma_start3A_17 = arith.constant 0 : i32
      %dma_start3A_18 = tpu.memref_slice %arg3[%run_scoped3A, %dma_start3A_17, %mul3A_2] : memref<26x24x4096xi32, #tpu.memory_space<hbm>> -> memref<1x24x256xi32, #tpu.memory_space<hbm>>
      %dma_start3A_19 = tpu.memref_squeeze %dma_start3A_18 : memref<1x24x256xi32, #tpu.memory_space<hbm>> -> memref<24x256xi32, #tpu.memory_space<hbm>>
      tpu.enqueue_dma source(%dma_start3A_19 : memref<24x256xi32, #tpu.memory_space<hbm>>) target(%arg7 : memref<24x256xi32, #tpu.memory_space<vmem>>) target_semaphore(%run_scoped3A_14 : memref<!tpu.dma_semaphore, #tpu.memory_space<semaphore_mem>>)
      %dma_wait3A_20 = arith.constant 0 : i32
      %dma_wait3A_21 = tpu.memref_slice %arg3[%run_scoped3A, %dma_wait3A_20, %mul3A_2] : memref<26x24x4096xi32, #tpu.memory_space<hbm>> -> memref<1x24x256xi32, #tpu.memory_space<hbm>>
      %dma_wait3A_22 = tpu.memref_squeeze %dma_wait3A_21 : memref<1x24x256xi32, #tpu.memory_space<hbm>> -> memref<24x256xi32, #tpu.memory_space<hbm>>
      %dma_wait3A_23 = arith.constant 0 : i32
      %dma_wait3A_24 = tpu.memref_slice %arg3[%run_scoped3A, %dma_wait3A_23, %mul3A_2] : memref<26x24x4096xi32, #tpu.memory_space<hbm>> -> memref<1x24x256xi32, #tpu.memory_space<hbm>>
      %dma_wait3A_25 = tpu.memref_squeeze %dma_wait3A_24 : memref<1x24x256xi32, #tpu.memory_space<hbm>> -> memref<24x256xi32, #tpu.memory_space<hbm>>
      tpu.wait_dma2 semaphore(%run_scoped3A_14 : memref<!tpu.dma_semaphore, #tpu.memory_space<semaphore_mem>>) src(%dma_wait3A_25 : memref<24x256xi32, #tpu.memory_space<hbm>>) dst(%arg7 : memref<24x256xi32, #tpu.memory_space<vmem>>)
      tpu.yield
    }) : () -> ()
    "tpu.region"() ({
      %run_scoped3A_14 = tpu.sem_alloc : memref<!tpu.dma_semaphore, #tpu.memory_space<semaphore_mem>>
      %dma_start3A = arith.constant 0 : i32
      %dma_start3A_15 = tpu.memref_slice %arg9[%dma_start3A, %mul3A_2] : memref<48x4096xi32, #tpu.memory_space<vmem_shared>> -> memref<24x256xi32, #tpu.memory_space<vmem_shared>>
      %dma_start3A_16 = arith.constant 0 : i32
      %dma_start3A_17 = tpu.memref_slice %arg9[%dma_start3A_16, %mul3A_2] : memref<48x4096xi32, #tpu.memory_space<vmem_shared>> -> memref<24x256xi32, #tpu.memory_space<vmem_shared>>
      tpu.enqueue_dma source(%arg7 : memref<24x256xi32, #tpu.memory_space<vmem>>) target(%dma_start3A_17 : memref<24x256xi32, #tpu.memory_space<vmem_shared>>) target_semaphore(%run_scoped3A_14 : memref<!tpu.dma_semaphore, #tpu.memory_space<semaphore_mem>>)
      %dma_wait3A_18 = arith.constant 0 : i32
      %dma_wait3A_19 = tpu.memref_slice %arg9[%dma_wait3A_18, %mul3A_2] : memref<48x4096xi32, #tpu.memory_space<vmem_shared>> -> memref<24x256xi32, #tpu.memory_space<vmem_shared>>
      %dma_wait3A_20 = arith.constant 0 : i32
      %dma_wait3A_21 = tpu.memref_slice %arg9[%dma_wait3A_20, %mul3A_2] : memref<48x4096xi32, #tpu.memory_space<vmem_shared>> -> memref<24x256xi32, #tpu.memory_space<vmem_shared>>
      tpu.wait_dma2 semaphore(%run_scoped3A_14 : memref<!tpu.dma_semaphore, #tpu.memory_space<semaphore_mem>>) src(%arg7 : memref<24x256xi32, #tpu.memory_space<vmem>>) dst(%dma_wait3A_21 : memref<24x256xi32, #tpu.memory_space<vmem_shared>>)
      tpu.yield
    }) : () -> ()
    %barrier3A = arith.constant 0 : index
    tpu.barrier barrier_id(%barrier3A)
    %scan3A = arith.constant 0 : i32
    %scan3A_3 = arith.constant 0 : i32
    %scan3A_4 = arith.constant 26 : i32
    %scan3A_5 = arith.addi %scan3A_3, %scan3A_4 : i32
    %scan3A_6 = arith.constant 1 : i32
    scf.for %scan3A_14 = %scan3A_3 to %scan3A_5 step %scan3A_6  : i32 {
      %dma_start3A = arith.constant 0 : i32
      %dma_start3A_15 = tpu.memref_slice %arg2[%scan3A_14, %add3A, %dma_start3A] : memref<26x32x100000xf32, #tpu.memory_space<hbm>> -> memref<1x1x100000xf32, #tpu.memory_space<hbm>>
      %dma_start3A_16 = tpu.memref_squeeze %dma_start3A_15 : memref<1x1x100000xf32, #tpu.memory_space<hbm>> -> memref<100000xf32, #tpu.memory_space<hbm>>
      %dma_start3A_17 = arith.constant 0 : i32
      %dma_start3A_18 = tpu.memref_slice %arg2[%scan3A_14, %add3A, %dma_start3A_17] : memref<26x32x100000xf32, #tpu.memory_space<hbm>> -> memref<1x1x100000xf32, #tpu.memory_space<hbm>>
      %dma_start3A_19 = tpu.memref_squeeze %dma_start3A_18 : memref<1x1x100000xf32, #tpu.memory_space<hbm>> -> memref<100000xf32, #tpu.memory_space<hbm>>
      tpu.enqueue_dma source(%dma_start3A_19 : memref<100000xf32, #tpu.memory_space<hbm>>) target(%arg5 : memref<100000xf32, #tpu.memory_space<vmem>>) target_semaphore(%arg10 : memref<!tpu.dma_semaphore, #tpu.memory_space<semaphore_mem>>)
      %jit3A = arith.constant 2 : i32
      %eq3A = arith.constant 0 : i32
      %eq3A_20 = arith.cmpi eq, %jit3A, %eq3A : i32
      %jit3A_21 = arith.constant 1 : i32
      %select_n3A = arith.select %eq3A_20, %jit3A_21, %jit3A : i32
      %rem3A = arith.remsi %scan3A_14, %select_n3A : i32
      %ne3A = arith.constant 0 : i32
      %ne3A_22 = arith.cmpi ne, %rem3A, %ne3A : i32
      %lt3A = arith.constant 0 : i32
      %lt3A_23 = arith.cmpi slt, %rem3A, %lt3A : i32
      %lt3A_24 = arith.constant 0 : i32
      %lt3A_25 = arith.cmpi slt, %select_n3A, %lt3A_24 : i32
      %ne3A_26 = arith.xori %lt3A_23, %lt3A_25 : i1
      %and3A = arith.andi %ne3A_26, %ne3A_22 : i1
      %add3A_27 = arith.addi %rem3A, %select_n3A : i32
      %select_n3A_28 = arith.select %and3A, %add3A_27, %rem3A : i32
      %mul3A_29 = arith.constant 24 : i32
      %mul3A_30 = arith.muli %select_n3A_28, %mul3A_29 : i32
      %dma_start3A_31 = arith.constant 0 : i32
      %dma_start3A_32 = arith.constant 0 : i32
      %dma_start3A_33 = arith.constant 0 : i32
      %dma_start3A_34 = arith.constant 0 : i32
      %dma_start3A_35 = tpu.memref_slice %arg6[%dma_start3A_31, %dma_start3A_33, %dma_start3A_34] : memref<2x24x128xi32, #tpu.memory_space<vmem>> -> memref<1x24x128xi32, #tpu.memory_space<vmem>>
      %dma_start3A_36 = tpu.memref_squeeze %dma_start3A_35 : memref<1x24x128xi32, #tpu.memory_space<vmem>> -> memref<24x128xi32, #tpu.memory_space<vmem>>
      %dma_start3A_37 = arith.constant 0 : i32
      %dma_start3A_38 = tpu.memref_slice %arg9[%mul3A_30, %dma_start3A_37] : memref<48x4096xi32, #tpu.memory_space<vmem_shared>> -> memref<24x128xi32, #tpu.memory_space<vmem_shared>>
      %dma_start3A_39 = tpu.memref_slice %arg11[%dma_start3A_32] : memref<2x!tpu.dma_semaphore, #tpu.memory_space<semaphore_mem>> -> memref<1x!tpu.dma_semaphore, #tpu.memory_space<semaphore_mem>>
      %dma_start3A_40 = tpu.memref_squeeze %dma_start3A_39 : memref<1x!tpu.dma_semaphore, #tpu.memory_space<semaphore_mem>> -> memref<!tpu.dma_semaphore, #tpu.memory_space<semaphore_mem>>
      %dma_start3A_41 = arith.constant 0 : i32
      %dma_start3A_42 = arith.constant 0 : i32
      %dma_start3A_43 = tpu.memref_slice %arg6[%dma_start3A_31, %dma_start3A_41, %dma_start3A_42] : memref<2x24x128xi32, #tpu.memory_space<vmem>> -> memref<1x24x128xi32, #tpu.memory_space<vmem>>
      %dma_start3A_44 = tpu.memref_squeeze %dma_start3A_43 : memref<1x24x128xi32, #tpu.memory_space<vmem>> -> memref<24x128xi32, #tpu.memory_space<vmem>>
      %dma_start3A_45 = arith.constant 0 : i32
      %dma_start3A_46 = tpu.memref_slice %arg9[%mul3A_30, %dma_start3A_45] : memref<48x4096xi32, #tpu.memory_space<vmem_shared>> -> memref<24x128xi32, #tpu.memory_space<vmem_shared>>
      tpu.enqueue_dma source(%dma_start3A_46 : memref<24x128xi32, #tpu.memory_space<vmem_shared>>) target(%dma_start3A_44 : memref<24x128xi32, #tpu.memory_space<vmem>>) target_semaphore(%dma_start3A_40 : memref<!tpu.dma_semaphore, #tpu.memory_space<semaphore_mem>>)
      %add3A_47 = arith.constant 1 : i32
      %add3A_48 = arith.addi %scan3A_14, %add3A_47 : i32
      %lt3A_49 = arith.constant 26 : i32
      %lt3A_50 = arith.cmpi slt, %add3A_48, %lt3A_49 : i32
      %convert_element_type3A = arith.extui %lt3A_50 : i1 to i32
      %cond3A = arith.constant 0 : i32
      %cond3A_51 = arith.cmpi ne, %convert_element_type3A, %cond3A : i32
      scf.if %cond3A_51 {
        %add3A_82 = arith.constant 1 : i32
        %add3A_83 = arith.addi %scan3A_14, %add3A_82 : i32
        %dma_start3A_84 = arith.constant 0 : i32
        %dma_start3A_85 = tpu.memref_slice %arg3[%add3A_83, %dma_start3A_84, %mul3A_2] : memref<26x24x4096xi32, #tpu.memory_space<hbm>> -> memref<1x24x256xi32, #tpu.memory_space<hbm>>
        %dma_start3A_86 = tpu.memref_squeeze %dma_start3A_85 : memref<1x24x256xi32, #tpu.memory_space<hbm>> -> memref<24x256xi32, #tpu.memory_space<hbm>>
        %dma_start3A_87 = arith.constant 0 : i32
        %dma_start3A_88 = tpu.memref_slice %arg3[%add3A_83, %dma_start3A_87, %mul3A_2] : memref<26x24x4096xi32, #tpu.memory_space<hbm>> -> memref<1x24x256xi32, #tpu.memory_space<hbm>>
        %dma_start3A_89 = tpu.memref_squeeze %dma_start3A_88 : memref<1x24x256xi32, #tpu.memory_space<hbm>> -> memref<24x256xi32, #tpu.memory_space<hbm>>
        tpu.enqueue_dma source(%dma_start3A_89 : memref<24x256xi32, #tpu.memory_space<hbm>>) target(%arg7 : memref<24x256xi32, #tpu.memory_space<vmem>>) target_semaphore(%arg12 : memref<!tpu.dma_semaphore, #tpu.memory_space<semaphore_mem>>)
      } else {
      }
      %dma_wait3A_52 = arith.constant 0 : i32
      %dma_wait3A_53 = tpu.memref_slice %arg2[%scan3A_14, %add3A, %dma_wait3A_52] : memref<26x32x100000xf32, #tpu.memory_space<hbm>> -> memref<1x1x100000xf32, #tpu.memory_space<hbm>>
      %dma_wait3A_54 = tpu.memref_squeeze %dma_wait3A_53 : memref<1x1x100000xf32, #tpu.memory_space<hbm>> -> memref<100000xf32, #tpu.memory_space<hbm>>
      %dma_wait3A_55 = arith.constant 0 : i32
      %dma_wait3A_56 = tpu.memref_slice %arg2[%scan3A_14, %add3A, %dma_wait3A_55] : memref<26x32x100000xf32, #tpu.memory_space<hbm>> -> memref<1x1x100000xf32, #tpu.memory_space<hbm>>
      %dma_wait3A_57 = tpu.memref_squeeze %dma_wait3A_56 : memref<1x1x100000xf32, #tpu.memory_space<hbm>> -> memref<100000xf32, #tpu.memory_space<hbm>>
      tpu.wait_dma2 semaphore(%arg10 : memref<!tpu.dma_semaphore, #tpu.memory_space<semaphore_mem>>) src(%dma_wait3A_57 : memref<100000xf32, #tpu.memory_space<hbm>>) dst(%arg5 : memref<100000xf32, #tpu.memory_space<vmem>>)
      %ge3A = arith.constant 1 : i32
      %ge3A_58 = arith.cmpi sge, %scan3A_14, %ge3A : i32
      %convert_element_type3A_59 = arith.extui %ge3A_58 : i1 to i32
      %cond3A_60 = arith.constant 0 : i32
      %cond3A_61 = arith.cmpi ne, %convert_element_type3A_59, %cond3A_60 : i32
      scf.if %cond3A_61 {
        %sub3A = arith.constant 1 : i32
        %sub3A_82 = arith.subi %scan3A_14, %sub3A : i32
        %dma_wait3A_83 = arith.constant 0 : i32
        %dma_wait3A_84 = tpu.memref_slice %arg4[%sub3A_82, %add3A, %dma_wait3A_83] : memref<26x32x4096xf32, #tpu.memory_space<hbm>> -> memref<1x1x4096xf32, #tpu.memory_space<hbm>>
        %dma_wait3A_85 = tpu.memref_squeeze %dma_wait3A_84 : memref<1x1x4096xf32, #tpu.memory_space<hbm>> -> memref<4096xf32, #tpu.memory_space<hbm>>
        %dma_wait3A_86 = arith.constant 0 : i32
        %dma_wait3A_87 = tpu.memref_slice %arg4[%sub3A_82, %add3A, %dma_wait3A_86] : memref<26x32x4096xf32, #tpu.memory_space<hbm>> -> memref<1x1x4096xf32, #tpu.memory_space<hbm>>
        %dma_wait3A_88 = tpu.memref_squeeze %dma_wait3A_87 : memref<1x1x4096xf32, #tpu.memory_space<hbm>> -> memref<4096xf32, #tpu.memory_space<hbm>>
        tpu.wait_dma2 semaphore(%arg13 : memref<!tpu.dma_semaphore, #tpu.memory_space<semaphore_mem>>) src(%arg8 : memref<4096xf32, #tpu.memory_space<vmem>>) dst(%dma_wait3A_88 : memref<4096xf32, #tpu.memory_space<hbm>>)
      } else {
      }
      %scan3A_62 = arith.constant 0 : i32
      %scan3A_63 = arith.constant 0 : i32
      %scan3A_64 = arith.constant 32 : i32
      %scan3A_65 = arith.addi %scan3A_63, %scan3A_64 : i32
      %scan3A_66 = arith.constant 1 : i32
      scf.for %scan3A_82 = %scan3A_63 to %scan3A_65 step %scan3A_66  : i32 {
        %jit3A_83 = arith.constant 2 : i32
        %eq3A_84 = arith.constant 0 : i32
        %eq3A_85 = arith.cmpi eq, %jit3A_83, %eq3A_84 : i32
        %jit3A_86 = arith.constant 1 : i32
        %select_n3A_87 = arith.select %eq3A_85, %jit3A_86, %jit3A_83 : i32
        %rem3A_88 = arith.remsi %scan3A_82, %select_n3A_87 : i32
        %ne3A_89 = arith.constant 0 : i32
        %ne3A_90 = arith.cmpi ne, %rem3A_88, %ne3A_89 : i32
        %lt3A_91 = arith.constant 0 : i32
        %lt3A_92 = arith.cmpi slt, %rem3A_88, %lt3A_91 : i32
        %lt3A_93 = arith.constant 0 : i32
        %lt3A_94 = arith.cmpi slt, %select_n3A_87, %lt3A_93 : i32
        %ne3A_95 = arith.xori %lt3A_92, %lt3A_94 : i1
        %and3A_96 = arith.andi %ne3A_95, %ne3A_90 : i1
        %add3A_97 = arith.addi %rem3A_88, %select_n3A_87 : i32
        %select_n3A_98 = arith.select %and3A_96, %add3A_97, %rem3A_88 : i32
        %add3A_99 = arith.constant 1 : i32
        %add3A_100 = arith.addi %scan3A_82, %add3A_99 : i32
        %jit3A_101 = arith.constant 2 : i32
        %eq3A_102 = arith.constant 0 : i32
        %eq3A_103 = arith.cmpi eq, %jit3A_101, %eq3A_102 : i32
        %jit3A_104 = arith.constant 1 : i32
        %select_n3A_105 = arith.select %eq3A_103, %jit3A_104, %jit3A_101 : i32
        %rem3A_106 = arith.remsi %add3A_100, %select_n3A_105 : i32
        %ne3A_107 = arith.constant 0 : i32
        %ne3A_108 = arith.cmpi ne, %rem3A_106, %ne3A_107 : i32
        %lt3A_109 = arith.constant 0 : i32
        %lt3A_110 = arith.cmpi slt, %rem3A_106, %lt3A_109 : i32
        %lt3A_111 = arith.constant 0 : i32
        %lt3A_112 = arith.cmpi slt, %select_n3A_105, %lt3A_111 : i32
        %ne3A_113 = arith.xori %lt3A_110, %lt3A_112 : i1
        %and3A_114 = arith.andi %ne3A_113, %ne3A_108 : i1
        %add3A_115 = arith.addi %rem3A_106, %select_n3A_105 : i32
        %select_n3A_116 = arith.select %and3A_114, %add3A_115, %rem3A_106 : i32
        %lt3A_117 = arith.constant 31 : i32
        %lt3A_118 = arith.cmpi slt, %scan3A_82, %lt3A_117 : i32
        %convert_element_type3A_119 = arith.extui %lt3A_118 : i1 to i32
        %cond3A_120 = arith.constant 0 : i32
        %cond3A_121 = arith.cmpi ne, %convert_element_type3A_119, %cond3A_120 : i32
        scf.if %cond3A_121 {
          %add3A_162 = arith.constant 1 : i32
          %add3A_163 = arith.addi %scan3A_82, %add3A_162 : i32
          %jit3A_164 = arith.constant 2 : i32
          %eq3A_165 = arith.constant 0 : i32
          %eq3A_166 = arith.cmpi eq, %jit3A_164, %eq3A_165 : i32
          %jit3A_167 = arith.constant 1 : i32
          %select_n3A_168 = arith.select %eq3A_166, %jit3A_167, %jit3A_164 : i32
          %rem3A_169 = arith.remsi %scan3A_14, %select_n3A_168 : i32
          %ne3A_170 = arith.constant 0 : i32
          %ne3A_171 = arith.cmpi ne, %rem3A_169, %ne3A_170 : i32
          %lt3A_172 = arith.constant 0 : i32
          %lt3A_173 = arith.cmpi slt, %rem3A_169, %lt3A_172 : i32
          %lt3A_174 = arith.constant 0 : i32
          %lt3A_175 = arith.cmpi slt, %select_n3A_168, %lt3A_174 : i32
          %ne3A_176 = arith.xori %lt3A_173, %lt3A_175 : i1
          %and3A_177 = arith.andi %ne3A_176, %ne3A_171 : i1
          %add3A_178 = arith.addi %rem3A_169, %select_n3A_168 : i32
          %select_n3A_179 = arith.select %and3A_177, %add3A_178, %rem3A_169 : i32
          %mul3A_180 = arith.constant 24 : i32
          %mul3A_181 = arith.muli %select_n3A_179, %mul3A_180 : i32
          %mul3A_182 = arith.constant 128 : i32
          %mul3A_183 = arith.muli %add3A_163, %mul3A_182 : i32
          %dma_start3A_184 = arith.constant 0 : i32
          %dma_start3A_185 = arith.constant 0 : i32
          %dma_start3A_186 = tpu.memref_slice %arg6[%select_n3A_116, %dma_start3A_184, %dma_start3A_185] : memref<2x24x128xi32, #tpu.memory_space<vmem>> -> memref<1x24x128xi32, #tpu.memory_space<vmem>>
          %dma_start3A_187 = tpu.memref_squeeze %dma_start3A_186 : memref<1x24x128xi32, #tpu.memory_space<vmem>> -> memref<24x128xi32, #tpu.memory_space<vmem>>
          %dma_start3A_188 = tpu.memref_slice %arg9[%mul3A_181, %mul3A_183] : memref<48x4096xi32, #tpu.memory_space<vmem_shared>> -> memref<24x128xi32, #tpu.memory_space<vmem_shared>>
          %dma_start3A_189 = tpu.memref_slice %arg11[%select_n3A_116] : memref<2x!tpu.dma_semaphore, #tpu.memory_space<semaphore_mem>> -> memref<1x!tpu.dma_semaphore, #tpu.memory_space<semaphore_mem>>
          %dma_start3A_190 = tpu.memref_squeeze %dma_start3A_189 : memref<1x!tpu.dma_semaphore, #tpu.memory_space<semaphore_mem>> -> memref<!tpu.dma_semaphore, #tpu.memory_space<semaphore_mem>>
          %dma_start3A_191 = arith.constant 0 : i32
          %dma_start3A_192 = arith.constant 0 : i32
          %dma_start3A_193 = tpu.memref_slice %arg6[%select_n3A_116, %dma_start3A_191, %dma_start3A_192] : memref<2x24x128xi32, #tpu.memory_space<vmem>> -> memref<1x24x128xi32, #tpu.memory_space<vmem>>
          %dma_start3A_194 = tpu.memref_squeeze %dma_start3A_193 : memref<1x24x128xi32, #tpu.memory_space<vmem>> -> memref<24x128xi32, #tpu.memory_space<vmem>>
          %dma_start3A_195 = tpu.memref_slice %arg9[%mul3A_181, %mul3A_183] : memref<48x4096xi32, #tpu.memory_space<vmem_shared>> -> memref<24x128xi32, #tpu.memory_space<vmem_shared>>
          tpu.enqueue_dma source(%dma_start3A_195 : memref<24x128xi32, #tpu.memory_space<vmem_shared>>) target(%dma_start3A_194 : memref<24x128xi32, #tpu.memory_space<vmem>>) target_semaphore(%dma_start3A_190 : memref<!tpu.dma_semaphore, #tpu.memory_space<semaphore_mem>>)
        } else {
        }
        %jit3A_122 = arith.constant 2 : i32
        %eq3A_123 = arith.constant 0 : i32
        %eq3A_124 = arith.cmpi eq, %jit3A_122, %eq3A_123 : i32
        %jit3A_125 = arith.constant 1 : i32
        %select_n3A_126 = arith.select %eq3A_124, %jit3A_125, %jit3A_122 : i32
        %rem3A_127 = arith.remsi %scan3A_14, %select_n3A_126 : i32
        %ne3A_128 = arith.constant 0 : i32
        %ne3A_129 = arith.cmpi ne, %rem3A_127, %ne3A_128 : i32
        %lt3A_130 = arith.constant 0 : i32
        %lt3A_131 = arith.cmpi slt, %rem3A_127, %lt3A_130 : i32
        %lt3A_132 = arith.constant 0 : i32
        %lt3A_133 = arith.cmpi slt, %select_n3A_126, %lt3A_132 : i32
        %ne3A_134 = arith.xori %lt3A_131, %lt3A_133 : i1
        %and3A_135 = arith.andi %ne3A_134, %ne3A_129 : i1
        %add3A_136 = arith.addi %rem3A_127, %select_n3A_126 : i32
        %select_n3A_137 = arith.select %and3A_135, %add3A_136, %rem3A_127 : i32
        %mul3A_138 = arith.constant 24 : i32
        %mul3A_139 = arith.muli %select_n3A_137, %mul3A_138 : i32
        %mul3A_140 = arith.constant 128 : i32
        %mul3A_141 = arith.muli %scan3A_82, %mul3A_140 : i32
        %dma_wait3A_142 = arith.constant 0 : i32
        %dma_wait3A_143 = arith.constant 0 : i32
        %dma_wait3A_144 = tpu.memref_slice %arg6[%select_n3A_98, %dma_wait3A_142, %dma_wait3A_143] : memref<2x24x128xi32, #tpu.memory_space<vmem>> -> memref<1x24x128xi32, #tpu.memory_space<vmem>>
        %dma_wait3A_145 = tpu.memref_squeeze %dma_wait3A_144 : memref<1x24x128xi32, #tpu.memory_space<vmem>> -> memref<24x128xi32, #tpu.memory_space<vmem>>
        %dma_wait3A_146 = tpu.memref_slice %arg9[%mul3A_139, %mul3A_141] : memref<48x4096xi32, #tpu.memory_space<vmem_shared>> -> memref<24x128xi32, #tpu.memory_space<vmem_shared>>
        %dma_wait3A_147 = tpu.memref_slice %arg11[%select_n3A_98] : memref<2x!tpu.dma_semaphore, #tpu.memory_space<semaphore_mem>> -> memref<1x!tpu.dma_semaphore, #tpu.memory_space<semaphore_mem>>
        %dma_wait3A_148 = tpu.memref_squeeze %dma_wait3A_147 : memref<1x!tpu.dma_semaphore, #tpu.memory_space<semaphore_mem>> -> memref<!tpu.dma_semaphore, #tpu.memory_space<semaphore_mem>>
        %dma_wait3A_149 = arith.constant 0 : i32
        %dma_wait3A_150 = arith.constant 0 : i32
        %dma_wait3A_151 = tpu.memref_slice %arg6[%select_n3A_98, %dma_wait3A_149, %dma_wait3A_150] : memref<2x24x128xi32, #tpu.memory_space<vmem>> -> memref<1x24x128xi32, #tpu.memory_space<vmem>>
        %dma_wait3A_152 = tpu.memref_squeeze %dma_wait3A_151 : memref<1x24x128xi32, #tpu.memory_space<vmem>> -> memref<24x128xi32, #tpu.memory_space<vmem>>
        %dma_wait3A_153 = tpu.memref_slice %arg9[%mul3A_139, %mul3A_141] : memref<48x4096xi32, #tpu.memory_space<vmem_shared>> -> memref<24x128xi32, #tpu.memory_space<vmem_shared>>
        tpu.wait_dma2 semaphore(%dma_wait3A_148 : memref<!tpu.dma_semaphore, #tpu.memory_space<semaphore_mem>>) src(%dma_wait3A_153 : memref<24x128xi32, #tpu.memory_space<vmem_shared>>) dst(%dma_wait3A_152 : memref<24x128xi32, #tpu.memory_space<vmem>>)
        %mul3A_154 = arith.constant 128 : i32
        %mul3A_155 = arith.muli %scan3A_82, %mul3A_154 : i32
        %scan3A_156 = arith.constant 0 : i32
        %scan3A_157 = arith.constant 0 : i32
        %scan3A_158 = arith.constant 8 : i32
        %scan3A_159 = arith.addi %scan3A_157, %scan3A_158 : i32
        %scan3A_160 = arith.constant 2 : i32
        scf.for %scan3A_162 = %scan3A_157 to %scan3A_159 step %scan3A_160  : i32 {
          %mul3A_163 = arith.constant 16 : i32
          %mul3A_164 = arith.muli %scan3A_162, %mul3A_163 : i32
          %get3A = arith.constant 0 : i32
          %get3A_165 = arith.index_cast %select_n3A_98 : i32 to index
          %get3A_166 = arith.index_cast %get3A : i32 to index
          %get3A_167 = arith.index_cast %mul3A_164 : i32 to index
          %get3A_168 = tpu.vector_load %arg6[%get3A_165, %get3A_166, %get3A_167] {strides = array<i32>} : memref<2x24x128xi32, #tpu.memory_space<vmem>>, vector<16xi32>,
          %gather3A = tpu.vector_load_idx %arg5[%get3A_168] : memref<100000xf32, #tpu.memory_space<vmem>>[vector<16xi32>], vector<16xf32>,
          %get3A_169 = arith.constant 1 : i32
          %get3A_170 = arith.index_cast %select_n3A_98 : i32 to index
          %get3A_171 = arith.index_cast %get3A_169 : i32 to index
          %get3A_172 = arith.index_cast %mul3A_164 : i32 to index
          %get3A_173 = tpu.vector_load %arg6[%get3A_170, %get3A_171, %get3A_172] {strides = array<i32>} : memref<2x24x128xi32, #tpu.memory_space<vmem>>, vector<16xi32>,
          %gather3A_174 = tpu.vector_load_idx %arg5[%get3A_173] : memref<100000xf32, #tpu.memory_space<vmem>>[vector<16xi32>], vector<16xf32>,
          %get3A_175 = arith.constant 2 : i32
          %get3A_176 = arith.index_cast %select_n3A_98 : i32 to index
          %get3A_177 = arith.index_cast %get3A_175 : i32 to index
          %get3A_178 = arith.index_cast %mul3A_164 : i32 to index
          %get3A_179 = tpu.vector_load %arg6[%get3A_176, %get3A_177, %get3A_178] {strides = array<i32>} : memref<2x24x128xi32, #tpu.memory_space<vmem>>, vector<16xi32>,
          %gather3A_180 = tpu.vector_load_idx %arg5[%get3A_179] : memref<100000xf32, #tpu.memory_space<vmem>>[vector<16xi32>], vector<16xf32>,
          %add3A_181 = arith.addf %gather3A, %gather3A_180 : vector<16xf32>
          %get3A_182 = arith.constant 3 : i32
          %get3A_183 = arith.index_cast %select_n3A_98 : i32 to index
          %get3A_184 = arith.index_cast %get3A_182 : i32 to index
          %get3A_185 = arith.index_cast %mul3A_164 : i32 to index
          %get3A_186 = tpu.vector_load %arg6[%get3A_183, %get3A_184, %get3A_185] {strides = array<i32>} : memref<2x24x128xi32, #tpu.memory_space<vmem>>, vector<16xi32>,
          %gather3A_187 = tpu.vector_load_idx %arg5[%get3A_186] : memref<100000xf32, #tpu.memory_space<vmem>>[vector<16xi32>], vector<16xf32>,
          %add3A_188 = arith.addf %gather3A_174, %gather3A_187 : vector<16xf32>
          %get3A_189 = arith.constant 4 : i32
          %get3A_190 = arith.index_cast %select_n3A_98 : i32 to index
          %get3A_191 = arith.index_cast %get3A_189 : i32 to index
          %get3A_192 = arith.index_cast %mul3A_164 : i32 to index
          %get3A_193 = tpu.vector_load %arg6[%get3A_190, %get3A_191, %get3A_192] {strides = array<i32>} : memref<2x24x128xi32, #tpu.memory_space<vmem>>, vector<16xi32>,
          %gather3A_194 = tpu.vector_load_idx %arg5[%get3A_193] : memref<100000xf32, #tpu.memory_space<vmem>>[vector<16xi32>], vector<16xf32>,
          %add3A_195 = arith.addf %add3A_181, %gather3A_194 : vector<16xf32>
          %get3A_196 = arith.constant 5 : i32
          %get3A_197 = arith.index_cast %select_n3A_98 : i32 to index
          %get3A_198 = arith.index_cast %get3A_196 : i32 to index
          %get3A_199 = arith.index_cast %mul3A_164 : i32 to index
          %get3A_200 = tpu.vector_load %arg6[%get3A_197, %get3A_198, %get3A_199] {strides = array<i32>} : memref<2x24x128xi32, #tpu.memory_space<vmem>>, vector<16xi32>,
          %gather3A_201 = tpu.vector_load_idx %arg5[%get3A_200] : memref<100000xf32, #tpu.memory_space<vmem>>[vector<16xi32>], vector<16xf32>,
          %add3A_202 = arith.addf %add3A_188, %gather3A_201 : vector<16xf32>
          %get3A_203 = arith.constant 6 : i32
          %get3A_204 = arith.index_cast %select_n3A_98 : i32 to index
          %get3A_205 = arith.index_cast %get3A_203 : i32 to index
          %get3A_206 = arith.index_cast %mul3A_164 : i32 to index
          %get3A_207 = tpu.vector_load %arg6[%get3A_204, %get3A_205, %get3A_206] {strides = array<i32>} : memref<2x24x128xi32, #tpu.memory_space<vmem>>, vector<16xi32>,
          %gather3A_208 = tpu.vector_load_idx %arg5[%get3A_207] : memref<100000xf32, #tpu.memory_space<vmem>>[vector<16xi32>], vector<16xf32>,
          %add3A_209 = arith.addf %add3A_195, %gather3A_208 : vector<16xf32>
          %get3A_210 = arith.constant 7 : i32
          %get3A_211 = arith.index_cast %select_n3A_98 : i32 to index
          %get3A_212 = arith.index_cast %get3A_210 : i32 to index
          %get3A_213 = arith.index_cast %mul3A_164 : i32 to index
          %get3A_214 = tpu.vector_load %arg6[%get3A_211, %get3A_212, %get3A_213] {strides = array<i32>} : memref<2x24x128xi32, #tpu.memory_space<vmem>>, vector<16xi32>,
          %gather3A_215 = tpu.vector_load_idx %arg5[%get3A_214] : memref<100000xf32, #tpu.memory_space<vmem>>[vector<16xi32>], vector<16xf32>,
          %add3A_216 = arith.addf %add3A_202, %gather3A_215 : vector<16xf32>
          %get3A_217 = arith.constant 8 : i32
          %get3A_218 = arith.index_cast %select_n3A_98 : i32 to index
          %get3A_219 = arith.index_cast %get3A_217 : i32 to index
          %get3A_220 = arith.index_cast %mul3A_164 : i32 to index
          %get3A_221 = tpu.vector_load %arg6[%get3A_218, %get3A_219, %get3A_220] {strides = array<i32>} : memref<2x24x128xi32, #tpu.memory_space<vmem>>, vector<16xi32>,
          %gather3A_222 = tpu.vector_load_idx %arg5[%get3A_221] : memref<100000xf32, #tpu.memory_space<vmem>>[vector<16xi32>], vector<16xf32>,
          %add3A_223 = arith.addf %add3A_209, %gather3A_222 : vector<16xf32>
          %get3A_224 = arith.constant 9 : i32
          %get3A_225 = arith.index_cast %select_n3A_98 : i32 to index
          %get3A_226 = arith.index_cast %get3A_224 : i32 to index
          %get3A_227 = arith.index_cast %mul3A_164 : i32 to index
          %get3A_228 = tpu.vector_load %arg6[%get3A_225, %get3A_226, %get3A_227] {strides = array<i32>} : memref<2x24x128xi32, #tpu.memory_space<vmem>>, vector<16xi32>,
          %gather3A_229 = tpu.vector_load_idx %arg5[%get3A_228] : memref<100000xf32, #tpu.memory_space<vmem>>[vector<16xi32>], vector<16xf32>,
          %add3A_230 = arith.addf %add3A_216, %gather3A_229 : vector<16xf32>
          %get3A_231 = arith.constant 10 : i32
          %get3A_232 = arith.index_cast %select_n3A_98 : i32 to index
          %get3A_233 = arith.index_cast %get3A_231 : i32 to index
          %get3A_234 = arith.index_cast %mul3A_164 : i32 to index
          %get3A_235 = tpu.vector_load %arg6[%get3A_232, %get3A_233, %get3A_234] {strides = array<i32>} : memref<2x24x128xi32, #tpu.memory_space<vmem>>, vector<16xi32>,
          %gather3A_236 = tpu.vector_load_idx %arg5[%get3A_235] : memref<100000xf32, #tpu.memory_space<vmem>>[vector<16xi32>], vector<16xf32>,
          %add3A_237 = arith.addf %add3A_223, %gather3A_236 : vector<16xf32>
          %get3A_238 = arith.constant 11 : i32
          %get3A_239 = arith.index_cast %select_n3A_98 : i32 to index
          %get3A_240 = arith.index_cast %get3A_238 : i32 to index
          %get3A_241 = arith.index_cast %mul3A_164 : i32 to index
          %get3A_242 = tpu.vector_load %arg6[%get3A_239, %get3A_240, %get3A_241] {strides = array<i32>} : memref<2x24x128xi32, #tpu.memory_space<vmem>>, vector<16xi32>,
          %gather3A_243 = tpu.vector_load_idx %arg5[%get3A_242] : memref<100000xf32, #tpu.memory_space<vmem>>[vector<16xi32>], vector<16xf32>,
          %add3A_244 = arith.addf %add3A_230, %gather3A_243 : vector<16xf32>
          %get3A_245 = arith.constant 12 : i32
          %get3A_246 = arith.index_cast %select_n3A_98 : i32 to index
          %get3A_247 = arith.index_cast %get3A_245 : i32 to index
          %get3A_248 = arith.index_cast %mul3A_164 : i32 to index
          %get3A_249 = tpu.vector_load %arg6[%get3A_246, %get3A_247, %get3A_248] {strides = array<i32>} : memref<2x24x128xi32, #tpu.memory_space<vmem>>, vector<16xi32>,
          %gather3A_250 = tpu.vector_load_idx %arg5[%get3A_249] : memref<100000xf32, #tpu.memory_space<vmem>>[vector<16xi32>], vector<16xf32>,
          %add3A_251 = arith.addf %add3A_237, %gather3A_250 : vector<16xf32>
          %get3A_252 = arith.constant 13 : i32
          %get3A_253 = arith.index_cast %select_n3A_98 : i32 to index
          %get3A_254 = arith.index_cast %get3A_252 : i32 to index
          %get3A_255 = arith.index_cast %mul3A_164 : i32 to index
          %get3A_256 = tpu.vector_load %arg6[%get3A_253, %get3A_254, %get3A_255] {strides = array<i32>} : memref<2x24x128xi32, #tpu.memory_space<vmem>>, vector<16xi32>,
          %gather3A_257 = tpu.vector_load_idx %arg5[%get3A_256] : memref<100000xf32, #tpu.memory_space<vmem>>[vector<16xi32>], vector<16xf32>,
          %add3A_258 = arith.addf %add3A_244, %gather3A_257 : vector<16xf32>
          %get3A_259 = arith.constant 14 : i32
          %get3A_260 = arith.index_cast %select_n3A_98 : i32 to index
          %get3A_261 = arith.index_cast %get3A_259 : i32 to index
          %get3A_262 = arith.index_cast %mul3A_164 : i32 to index
          %get3A_263 = tpu.vector_load %arg6[%get3A_260, %get3A_261, %get3A_262] {strides = array<i32>} : memref<2x24x128xi32, #tpu.memory_space<vmem>>, vector<16xi32>,
          %gather3A_264 = tpu.vector_load_idx %arg5[%get3A_263] : memref<100000xf32, #tpu.memory_space<vmem>>[vector<16xi32>], vector<16xf32>,
          %add3A_265 = arith.addf %add3A_251, %gather3A_264 : vector<16xf32>
          %get3A_266 = arith.constant 15 : i32
          %get3A_267 = arith.index_cast %select_n3A_98 : i32 to index
          %get3A_268 = arith.index_cast %get3A_266 : i32 to index
          %get3A_269 = arith.index_cast %mul3A_164 : i32 to index
          %get3A_270 = tpu.vector_load %arg6[%get3A_267, %get3A_268, %get3A_269] {strides = array<i32>} : memref<2x24x128xi32, #tpu.memory_space<vmem>>, vector<16xi32>,
          %gather3A_271 = tpu.vector_load_idx %arg5[%get3A_270] : memref<100000xf32, #tpu.memory_space<vmem>>[vector<16xi32>], vector<16xf32>,
          %add3A_272 = arith.addf %add3A_258, %gather3A_271 : vector<16xf32>
          %get3A_273 = arith.constant 16 : i32
          %get3A_274 = arith.index_cast %select_n3A_98 : i32 to index
          %get3A_275 = arith.index_cast %get3A_273 : i32 to index
          %get3A_276 = arith.index_cast %mul3A_164 : i32 to index
          %get3A_277 = tpu.vector_load %arg6[%get3A_274, %get3A_275, %get3A_276] {strides = array<i32>} : memref<2x24x128xi32, #tpu.memory_space<vmem>>, vector<16xi32>,
          %gather3A_278 = tpu.vector_load_idx %arg5[%get3A_277] : memref<100000xf32, #tpu.memory_space<vmem>>[vector<16xi32>], vector<16xf32>,
          %add3A_279 = arith.addf %add3A_265, %gather3A_278 : vector<16xf32>
          %get3A_280 = arith.constant 17 : i32
          %get3A_281 = arith.index_cast %select_n3A_98 : i32 to index
          %get3A_282 = arith.index_cast %get3A_280 : i32 to index
          %get3A_283 = arith.index_cast %mul3A_164 : i32 to index
          %get3A_284 = tpu.vector_load %arg6[%get3A_281, %get3A_282, %get3A_283] {strides = array<i32>} : memref<2x24x128xi32, #tpu.memory_space<vmem>>, vector<16xi32>,
          %gather3A_285 = tpu.vector_load_idx %arg5[%get3A_284] : memref<100000xf32, #tpu.memory_space<vmem>>[vector<16xi32>], vector<16xf32>,
          %add3A_286 = arith.addf %add3A_272, %gather3A_285 : vector<16xf32>
          %get3A_287 = arith.constant 18 : i32
          %get3A_288 = arith.index_cast %select_n3A_98 : i32 to index
          %get3A_289 = arith.index_cast %get3A_287 : i32 to index
          %get3A_290 = arith.index_cast %mul3A_164 : i32 to index
          %get3A_291 = tpu.vector_load %arg6[%get3A_288, %get3A_289, %get3A_290] {strides = array<i32>} : memref<2x24x128xi32, #tpu.memory_space<vmem>>, vector<16xi32>,
          %gather3A_292 = tpu.vector_load_idx %arg5[%get3A_291] : memref<100000xf32, #tpu.memory_space<vmem>>[vector<16xi32>], vector<16xf32>,
          %add3A_293 = arith.addf %add3A_279, %gather3A_292 : vector<16xf32>
          %get3A_294 = arith.constant 19 : i32
          %get3A_295 = arith.index_cast %select_n3A_98 : i32 to index
          %get3A_296 = arith.index_cast %get3A_294 : i32 to index
          %get3A_297 = arith.index_cast %mul3A_164 : i32 to index
          %get3A_298 = tpu.vector_load %arg6[%get3A_295, %get3A_296, %get3A_297] {strides = array<i32>} : memref<2x24x128xi32, #tpu.memory_space<vmem>>, vector<16xi32>,
          %gather3A_299 = tpu.vector_load_idx %arg5[%get3A_298] : memref<100000xf32, #tpu.memory_space<vmem>>[vector<16xi32>], vector<16xf32>,
          %add3A_300 = arith.addf %add3A_286, %gather3A_299 : vector<16xf32>
          %add3A_301 = arith.addf %add3A_293, %add3A_300 : vector<16xf32>
          %add3A_302 = arith.addi %mul3A_155, %mul3A_164 : i32
          %swap3A = arith.index_cast %add3A_302 : i32 to index
          %swap3A_303 = tpu.vector_load %arg8[%swap3A] {strides = array<i32>} : memref<4096xf32, #tpu.memory_space<vmem>>, vector<16xf32>,
          tpu.vector_store %arg8[%swap3A], %add3A_301 {strides = array<i32>} : memref<4096xf32, #tpu.memory_space<vmem>>, vector<16xf32>,
          %scan3A_304 = arith.constant 1 : i32
          %scan3A_305 = arith.addi %scan3A_162, %scan3A_304 : i32
          %mul3A_306 = arith.constant 16 : i32
          %mul3A_307 = arith.muli %scan3A_305, %mul3A_306 : i32
          %get3A_308 = arith.constant 0 : i32
          %get3A_309 = arith.index_cast %select_n3A_98 : i32 to index
          %get3A_310 = arith.index_cast %get3A_308 : i32 to index
          %get3A_311 = arith.index_cast %mul3A_307 : i32 to index
          %get3A_312 = tpu.vector_load %arg6[%get3A_309, %get3A_310, %get3A_311] {strides = array<i32>} : memref<2x24x128xi32, #tpu.memory_space<vmem>>, vector<16xi32>,
          %gather3A_313 = tpu.vector_load_idx %arg5[%get3A_312] : memref<100000xf32, #tpu.memory_space<vmem>>[vector<16xi32>], vector<16xf32>,
          %get3A_314 = arith.constant 1 : i32
          %get3A_315 = arith.index_cast %select_n3A_98 : i32 to index
          %get3A_316 = arith.index_cast %get3A_314 : i32 to index
          %get3A_317 = arith.index_cast %mul3A_307 : i32 to index
          %get3A_318 = tpu.vector_load %arg6[%get3A_315, %get3A_316, %get3A_317] {strides = array<i32>} : memref<2x24x128xi32, #tpu.memory_space<vmem>>, vector<16xi32>,
          %gather3A_319 = tpu.vector_load_idx %arg5[%get3A_318] : memref<100000xf32, #tpu.memory_space<vmem>>[vector<16xi32>], vector<16xf32>,
          %get3A_320 = arith.constant 2 : i32
          %get3A_321 = arith.index_cast %select_n3A_98 : i32 to index
          %get3A_322 = arith.index_cast %get3A_320 : i32 to index
          %get3A_323 = arith.index_cast %mul3A_307 : i32 to index
          %get3A_324 = tpu.vector_load %arg6[%get3A_321, %get3A_322, %get3A_323] {strides = array<i32>} : memref<2x24x128xi32, #tpu.memory_space<vmem>>, vector<16xi32>,
          %gather3A_325 = tpu.vector_load_idx %arg5[%get3A_324] : memref<100000xf32, #tpu.memory_space<vmem>>[vector<16xi32>], vector<16xf32>,
          %add3A_326 = arith.addf %gather3A_313, %gather3A_325 : vector<16xf32>
          %get3A_327 = arith.constant 3 : i32
          %get3A_328 = arith.index_cast %select_n3A_98 : i32 to index
          %get3A_329 = arith.index_cast %get3A_327 : i32 to index
          %get3A_330 = arith.index_cast %mul3A_307 : i32 to index
          %get3A_331 = tpu.vector_load %arg6[%get3A_328, %get3A_329, %get3A_330] {strides = array<i32>} : memref<2x24x128xi32, #tpu.memory_space<vmem>>, vector<16xi32>,
          %gather3A_332 = tpu.vector_load_idx %arg5[%get3A_331] : memref<100000xf32, #tpu.memory_space<vmem>>[vector<16xi32>], vector<16xf32>,
          %add3A_333 = arith.addf %gather3A_319, %gather3A_332 : vector<16xf32>
          %get3A_334 = arith.constant 4 : i32
          %get3A_335 = arith.index_cast %select_n3A_98 : i32 to index
          %get3A_336 = arith.index_cast %get3A_334 : i32 to index
          %get3A_337 = arith.index_cast %mul3A_307 : i32 to index
          %get3A_338 = tpu.vector_load %arg6[%get3A_335, %get3A_336, %get3A_337] {strides = array<i32>} : memref<2x24x128xi32, #tpu.memory_space<vmem>>, vector<16xi32>,
          %gather3A_339 = tpu.vector_load_idx %arg5[%get3A_338] : memref<100000xf32, #tpu.memory_space<vmem>>[vector<16xi32>], vector<16xf32>,
          %add3A_340 = arith.addf %add3A_326, %gather3A_339 : vector<16xf32>
          %get3A_341 = arith.constant 5 : i32
          %get3A_342 = arith.index_cast %select_n3A_98 : i32 to index
          %get3A_343 = arith.index_cast %get3A_341 : i32 to index
          %get3A_344 = arith.index_cast %mul3A_307 : i32 to index
          %get3A_345 = tpu.vector_load %arg6[%get3A_342, %get3A_343, %get3A_344] {strides = array<i32>} : memref<2x24x128xi32, #tpu.memory_space<vmem>>, vector<16xi32>,
          %gather3A_346 = tpu.vector_load_idx %arg5[%get3A_345] : memref<100000xf32, #tpu.memory_space<vmem>>[vector<16xi32>], vector<16xf32>,
          %add3A_347 = arith.addf %add3A_333, %gather3A_346 : vector<16xf32>
          %get3A_348 = arith.constant 6 : i32
          %get3A_349 = arith.index_cast %select_n3A_98 : i32 to index
          %get3A_350 = arith.index_cast %get3A_348 : i32 to index
          %get3A_351 = arith.index_cast %mul3A_307 : i32 to index
          %get3A_352 = tpu.vector_load %arg6[%get3A_349, %get3A_350, %get3A_351] {strides = array<i32>} : memref<2x24x128xi32, #tpu.memory_space<vmem>>, vector<16xi32>,
          %gather3A_353 = tpu.vector_load_idx %arg5[%get3A_352] : memref<100000xf32, #tpu.memory_space<vmem>>[vector<16xi32>], vector<16xf32>,
          %add3A_354 = arith.addf %add3A_340, %gather3A_353 : vector<16xf32>
          %get3A_355 = arith.constant 7 : i32
          %get3A_356 = arith.index_cast %select_n3A_98 : i32 to index
          %get3A_357 = arith.index_cast %get3A_355 : i32 to index
          %get3A_358 = arith.index_cast %mul3A_307 : i32 to index
          %get3A_359 = tpu.vector_load %arg6[%get3A_356, %get3A_357, %get3A_358] {strides = array<i32>} : memref<2x24x128xi32, #tpu.memory_space<vmem>>, vector<16xi32>,
          %gather3A_360 = tpu.vector_load_idx %arg5[%get3A_359] : memref<100000xf32, #tpu.memory_space<vmem>>[vector<16xi32>], vector<16xf32>,
          %add3A_361 = arith.addf %add3A_347, %gather3A_360 : vector<16xf32>
          %get3A_362 = arith.constant 8 : i32
          %get3A_363 = arith.index_cast %select_n3A_98 : i32 to index
          %get3A_364 = arith.index_cast %get3A_362 : i32 to index
          %get3A_365 = arith.index_cast %mul3A_307 : i32 to index
          %get3A_366 = tpu.vector_load %arg6[%get3A_363, %get3A_364, %get3A_365] {strides = array<i32>} : memref<2x24x128xi32, #tpu.memory_space<vmem>>, vector<16xi32>,
          %gather3A_367 = tpu.vector_load_idx %arg5[%get3A_366] : memref<100000xf32, #tpu.memory_space<vmem>>[vector<16xi32>], vector<16xf32>,
          %add3A_368 = arith.addf %add3A_354, %gather3A_367 : vector<16xf32>
          %get3A_369 = arith.constant 9 : i32
          %get3A_370 = arith.index_cast %select_n3A_98 : i32 to index
          %get3A_371 = arith.index_cast %get3A_369 : i32 to index
          %get3A_372 = arith.index_cast %mul3A_307 : i32 to index
          %get3A_373 = tpu.vector_load %arg6[%get3A_370, %get3A_371, %get3A_372] {strides = array<i32>} : memref<2x24x128xi32, #tpu.memory_space<vmem>>, vector<16xi32>,
          %gather3A_374 = tpu.vector_load_idx %arg5[%get3A_373] : memref<100000xf32, #tpu.memory_space<vmem>>[vector<16xi32>], vector<16xf32>,
          %add3A_375 = arith.addf %add3A_361, %gather3A_374 : vector<16xf32>
          %get3A_376 = arith.constant 10 : i32
          %get3A_377 = arith.index_cast %select_n3A_98 : i32 to index
          %get3A_378 = arith.index_cast %get3A_376 : i32 to index
          %get3A_379 = arith.index_cast %mul3A_307 : i32 to index
          %get3A_380 = tpu.vector_load %arg6[%get3A_377, %get3A_378, %get3A_379] {strides = array<i32>} : memref<2x24x128xi32, #tpu.memory_space<vmem>>, vector<16xi32>,
          %gather3A_381 = tpu.vector_load_idx %arg5[%get3A_380] : memref<100000xf32, #tpu.memory_space<vmem>>[vector<16xi32>], vector<16xf32>,
          %add3A_382 = arith.addf %add3A_368, %gather3A_381 : vector<16xf32>
          %get3A_383 = arith.constant 11 : i32
          %get3A_384 = arith.index_cast %select_n3A_98 : i32 to index
          %get3A_385 = arith.index_cast %get3A_383 : i32 to index
          %get3A_386 = arith.index_cast %mul3A_307 : i32 to index
          %get3A_387 = tpu.vector_load %arg6[%get3A_384, %get3A_385, %get3A_386] {strides = array<i32>} : memref<2x24x128xi32, #tpu.memory_space<vmem>>, vector<16xi32>,
          %gather3A_388 = tpu.vector_load_idx %arg5[%get3A_387] : memref<100000xf32, #tpu.memory_space<vmem>>[vector<16xi32>], vector<16xf32>,
          %add3A_389 = arith.addf %add3A_375, %gather3A_388 : vector<16xf32>
          %get3A_390 = arith.constant 12 : i32
          %get3A_391 = arith.index_cast %select_n3A_98 : i32 to index
          %get3A_392 = arith.index_cast %get3A_390 : i32 to index
          %get3A_393 = arith.index_cast %mul3A_307 : i32 to index
          %get3A_394 = tpu.vector_load %arg6[%get3A_391, %get3A_392, %get3A_393] {strides = array<i32>} : memref<2x24x128xi32, #tpu.memory_space<vmem>>, vector<16xi32>,
          %gather3A_395 = tpu.vector_load_idx %arg5[%get3A_394] : memref<100000xf32, #tpu.memory_space<vmem>>[vector<16xi32>], vector<16xf32>,
          %add3A_396 = arith.addf %add3A_382, %gather3A_395 : vector<16xf32>
          %get3A_397 = arith.constant 13 : i32
          %get3A_398 = arith.index_cast %select_n3A_98 : i32 to index
          %get3A_399 = arith.index_cast %get3A_397 : i32 to index
          %get3A_400 = arith.index_cast %mul3A_307 : i32 to index
          %get3A_401 = tpu.vector_load %arg6[%get3A_398, %get3A_399, %get3A_400] {strides = array<i32>} : memref<2x24x128xi32, #tpu.memory_space<vmem>>, vector<16xi32>,
          %gather3A_402 = tpu.vector_load_idx %arg5[%get3A_401] : memref<100000xf32, #tpu.memory_space<vmem>>[vector<16xi32>], vector<16xf32>,
          %add3A_403 = arith.addf %add3A_389, %gather3A_402 : vector<16xf32>
          %get3A_404 = arith.constant 14 : i32
          %get3A_405 = arith.index_cast %select_n3A_98 : i32 to index
          %get3A_406 = arith.index_cast %get3A_404 : i32 to index
          %get3A_407 = arith.index_cast %mul3A_307 : i32 to index
          %get3A_408 = tpu.vector_load %arg6[%get3A_405, %get3A_406, %get3A_407] {strides = array<i32>} : memref<2x24x128xi32, #tpu.memory_space<vmem>>, vector<16xi32>,
          %gather3A_409 = tpu.vector_load_idx %arg5[%get3A_408] : memref<100000xf32, #tpu.memory_space<vmem>>[vector<16xi32>], vector<16xf32>,
          %add3A_410 = arith.addf %add3A_396, %gather3A_409 : vector<16xf32>
          %get3A_411 = arith.constant 15 : i32
          %get3A_412 = arith.index_cast %select_n3A_98 : i32 to index
          %get3A_413 = arith.index_cast %get3A_411 : i32 to index
          %get3A_414 = arith.index_cast %mul3A_307 : i32 to index
          %get3A_415 = tpu.vector_load %arg6[%get3A_412, %get3A_413, %get3A_414] {strides = array<i32>} : memref<2x24x128xi32, #tpu.memory_space<vmem>>, vector<16xi32>,
          %gather3A_416 = tpu.vector_load_idx %arg5[%get3A_415] : memref<100000xf32, #tpu.memory_space<vmem>>[vector<16xi32>], vector<16xf32>,
          %add3A_417 = arith.addf %add3A_403, %gather3A_416 : vector<16xf32>
          %get3A_418 = arith.constant 16 : i32
          %get3A_419 = arith.index_cast %select_n3A_98 : i32 to index
          %get3A_420 = arith.index_cast %get3A_418 : i32 to index
          %get3A_421 = arith.index_cast %mul3A_307 : i32 to index
          %get3A_422 = tpu.vector_load %arg6[%get3A_419, %get3A_420, %get3A_421] {strides = array<i32>} : memref<2x24x128xi32, #tpu.memory_space<vmem>>, vector<16xi32>,
          %gather3A_423 = tpu.vector_load_idx %arg5[%get3A_422] : memref<100000xf32, #tpu.memory_space<vmem>>[vector<16xi32>], vector<16xf32>,
          %add3A_424 = arith.addf %add3A_410, %gather3A_423 : vector<16xf32>
          %get3A_425 = arith.constant 17 : i32
          %get3A_426 = arith.index_cast %select_n3A_98 : i32 to index
          %get3A_427 = arith.index_cast %get3A_425 : i32 to index
          %get3A_428 = arith.index_cast %mul3A_307 : i32 to index
          %get3A_429 = tpu.vector_load %arg6[%get3A_426, %get3A_427, %get3A_428] {strides = array<i32>} : memref<2x24x128xi32, #tpu.memory_space<vmem>>, vector<16xi32>,
          %gather3A_430 = tpu.vector_load_idx %arg5[%get3A_429] : memref<100000xf32, #tpu.memory_space<vmem>>[vector<16xi32>], vector<16xf32>,
          %add3A_431 = arith.addf %add3A_417, %gather3A_430 : vector<16xf32>
          %get3A_432 = arith.constant 18 : i32
          %get3A_433 = arith.index_cast %select_n3A_98 : i32 to index
          %get3A_434 = arith.index_cast %get3A_432 : i32 to index
          %get3A_435 = arith.index_cast %mul3A_307 : i32 to index
          %get3A_436 = tpu.vector_load %arg6[%get3A_433, %get3A_434, %get3A_435] {strides = array<i32>} : memref<2x24x128xi32, #tpu.memory_space<vmem>>, vector<16xi32>,
          %gather3A_437 = tpu.vector_load_idx %arg5[%get3A_436] : memref<100000xf32, #tpu.memory_space<vmem>>[vector<16xi32>], vector<16xf32>,
          %add3A_438 = arith.addf %add3A_424, %gather3A_437 : vector<16xf32>
          %get3A_439 = arith.constant 19 : i32
          %get3A_440 = arith.index_cast %select_n3A_98 : i32 to index
          %get3A_441 = arith.index_cast %get3A_439 : i32 to index
          %get3A_442 = arith.index_cast %mul3A_307 : i32 to index
          %get3A_443 = tpu.vector_load %arg6[%get3A_440, %get3A_441, %get3A_442] {strides = array<i32>} : memref<2x24x128xi32, #tpu.memory_space<vmem>>, vector<16xi32>,
          %gather3A_444 = tpu.vector_load_idx %arg5[%get3A_443] : memref<100000xf32, #tpu.memory_space<vmem>>[vector<16xi32>], vector<16xf32>,
          %add3A_445 = arith.addf %add3A_431, %gather3A_444 : vector<16xf32>
          %add3A_446 = arith.addf %add3A_438, %add3A_445 : vector<16xf32>
          %add3A_447 = arith.addi %mul3A_155, %mul3A_307 : i32
          %swap3A_448 = arith.index_cast %add3A_447 : i32 to index
          %swap3A_449 = tpu.vector_load %arg8[%swap3A_448] {strides = array<i32>} : memref<4096xf32, #tpu.memory_space<vmem>>, vector<16xf32>,
          tpu.vector_store %arg8[%swap3A_448], %add3A_446 {strides = array<i32>} : memref<4096xf32, #tpu.memory_space<vmem>>, vector<16xf32>,
        }
        %scan3A_161 = arith.constant 8 : i32
      }
      %scan3A_67 = arith.constant 32 : i32
      %dma_start3A_68 = arith.constant 0 : i32
      %dma_start3A_69 = tpu.memref_slice %arg4[%scan3A_14, %add3A, %dma_start3A_68] : memref<26x32x4096xf32, #tpu.memory_space<hbm>> -> memref<1x1x4096xf32, #tpu.memory_space<hbm>>
      %dma_start3A_70 = tpu.memref_squeeze %dma_start3A_69 : memref<1x1x4096xf32, #tpu.memory_space<hbm>> -> memref<4096xf32, #tpu.memory_space<hbm>>
      %dma_start3A_71 = arith.constant 0 : i32
      %dma_start3A_72 = tpu.memref_slice %arg4[%scan3A_14, %add3A, %dma_start3A_71] : memref<26x32x4096xf32, #tpu.memory_space<hbm>> -> memref<1x1x4096xf32, #tpu.memory_space<hbm>>
      %dma_start3A_73 = tpu.memref_squeeze %dma_start3A_72 : memref<1x1x4096xf32, #tpu.memory_space<hbm>> -> memref<4096xf32, #tpu.memory_space<hbm>>
      tpu.enqueue_dma source(%arg8 : memref<4096xf32, #tpu.memory_space<vmem>>) target(%dma_start3A_73 : memref<4096xf32, #tpu.memory_space<hbm>>) target_semaphore(%arg13 : memref<!tpu.dma_semaphore, #tpu.memory_space<semaphore_mem>>)
      %add3A_74 = arith.constant 1 : i32
      %add3A_75 = arith.addi %scan3A_14, %add3A_74 : i32
      %lt3A_76 = arith.constant 26 : i32
      %lt3A_77 = arith.cmpi slt, %add3A_75, %lt3A_76 : i32
      %convert_element_type3A_78 = arith.extui %lt3A_77 : i1 to i32
      %cond3A_79 = arith.constant 0 : i32
      %cond3A_80 = arith.cmpi ne, %convert_element_type3A_78, %cond3A_79 : i32
      scf.if %cond3A_80 {
        %add3A_82 = arith.constant 1 : i32
        %add3A_83 = arith.addi %scan3A_14, %add3A_82 : i32
        %dma_wait3A_84 = arith.constant 0 : i32
        %dma_wait3A_85 = tpu.memref_slice %arg3[%add3A_83, %dma_wait3A_84, %mul3A_2] : memref<26x24x4096xi32, #tpu.memory_space<hbm>> -> memref<1x24x256xi32, #tpu.memory_space<hbm>>
        %dma_wait3A_86 = tpu.memref_squeeze %dma_wait3A_85 : memref<1x24x256xi32, #tpu.memory_space<hbm>> -> memref<24x256xi32, #tpu.memory_space<hbm>>
        %dma_wait3A_87 = arith.constant 0 : i32
        %dma_wait3A_88 = tpu.memref_slice %arg3[%add3A_83, %dma_wait3A_87, %mul3A_2] : memref<26x24x4096xi32, #tpu.memory_space<hbm>> -> memref<1x24x256xi32, #tpu.memory_space<hbm>>
        %dma_wait3A_89 = tpu.memref_squeeze %dma_wait3A_88 : memref<1x24x256xi32, #tpu.memory_space<hbm>> -> memref<24x256xi32, #tpu.memory_space<hbm>>
        tpu.wait_dma2 semaphore(%arg12 : memref<!tpu.dma_semaphore, #tpu.memory_space<semaphore_mem>>) src(%dma_wait3A_89 : memref<24x256xi32, #tpu.memory_space<hbm>>) dst(%arg7 : memref<24x256xi32, #tpu.memory_space<vmem>>)
        %add3A_90 = arith.constant 1 : i32
        %add3A_91 = arith.addi %scan3A_14, %add3A_90 : i32
        %jit3A_92 = arith.constant 2 : i32
        %eq3A_93 = arith.constant 0 : i32
        %eq3A_94 = arith.cmpi eq, %jit3A_92, %eq3A_93 : i32
        %jit3A_95 = arith.constant 1 : i32
        %select_n3A_96 = arith.select %eq3A_94, %jit3A_95, %jit3A_92 : i32
        %rem3A_97 = arith.remsi %add3A_91, %select_n3A_96 : i32
        %ne3A_98 = arith.constant 0 : i32
        %ne3A_99 = arith.cmpi ne, %rem3A_97, %ne3A_98 : i32
        %lt3A_100 = arith.constant 0 : i32
        %lt3A_101 = arith.cmpi slt, %rem3A_97, %lt3A_100 : i32
        %lt3A_102 = arith.constant 0 : i32
        %lt3A_103 = arith.cmpi slt, %select_n3A_96, %lt3A_102 : i32
        %ne3A_104 = arith.xori %lt3A_101, %lt3A_103 : i1
        %and3A_105 = arith.andi %ne3A_104, %ne3A_99 : i1
        %add3A_106 = arith.addi %rem3A_97, %select_n3A_96 : i32
        %select_n3A_107 = arith.select %and3A_105, %add3A_106, %rem3A_97 : i32
        %mul3A_108 = arith.constant 24 : i32
        %mul3A_109 = arith.muli %select_n3A_107, %mul3A_108 : i32
        "tpu.region"() ({
          %run_scoped3A_110 = tpu.sem_alloc : memref<!tpu.dma_semaphore, #tpu.memory_space<semaphore_mem>>
          %dma_start3A_111 = tpu.memref_slice %arg9[%mul3A_109, %mul3A_2] : memref<48x4096xi32, #tpu.memory_space<vmem_shared>> -> memref<24x256xi32, #tpu.memory_space<vmem_shared>>
          %dma_start3A_112 = tpu.memref_slice %arg9[%mul3A_109, %mul3A_2] : memref<48x4096xi32, #tpu.memory_space<vmem_shared>> -> memref<24x256xi32, #tpu.memory_space<vmem_shared>>
          tpu.enqueue_dma source(%arg7 : memref<24x256xi32, #tpu.memory_space<vmem>>) target(%dma_start3A_112 : memref<24x256xi32, #tpu.memory_space<vmem_shared>>) target_semaphore(%run_scoped3A_110 : memref<!tpu.dma_semaphore, #tpu.memory_space<semaphore_mem>>)
          %dma_wait3A_113 = tpu.memref_slice %arg9[%mul3A_109, %mul3A_2] : memref<48x4096xi32, #tpu.memory_space<vmem_shared>> -> memref<24x256xi32, #tpu.memory_space<vmem_shared>>
          %dma_wait3A_114 = tpu.memref_slice %arg9[%mul3A_109, %mul3A_2] : memref<48x4096xi32, #tpu.memory_space<vmem_shared>> -> memref<24x256xi32, #tpu.memory_space<vmem_shared>>
          tpu.wait_dma2 semaphore(%run_scoped3A_110 : memref<!tpu.dma_semaphore, #tpu.memory_space<semaphore_mem>>) src(%arg7 : memref<24x256xi32, #tpu.memory_space<vmem>>) dst(%dma_wait3A_114 : memref<24x256xi32, #tpu.memory_space<vmem_shared>>)
          tpu.yield
        }) : () -> ()
      } else {
      }
      %barrier3A_81 = arith.constant 0 : index
      tpu.barrier barrier_id(%barrier3A_81)
    }
    %scan3A_7 = arith.constant 26 : i32
    %dma_wait3A = arith.constant 25 : i32
    %dma_wait3A_8 = arith.constant 0 : i32
    %dma_wait3A_9 = tpu.memref_slice %arg4[%dma_wait3A, %add3A, %dma_wait3A_8] : memref<26x32x4096xf32, #tpu.memory_space<hbm>> -> memref<1x1x4096xf32, #tpu.memory_space<hbm>>
    %dma_wait3A_10 = tpu.memref_squeeze %dma_wait3A_9 : memref<1x1x4096xf32, #tpu.memory_space<hbm>> -> memref<4096xf32, #tpu.memory_space<hbm>>
    %dma_wait3A_11 = arith.constant 0 : i32
    %dma_wait3A_12 = tpu.memref_slice %arg4[%dma_wait3A, %add3A, %dma_wait3A_11] : memref<26x32x4096xf32, #tpu.memory_space<hbm>> -> memref<1x1x4096xf32, #tpu.memory_space<hbm>>
    %dma_wait3A_13 = tpu.memref_squeeze %dma_wait3A_12 : memref<1x1x4096xf32, #tpu.memory_space<hbm>> -> memref<4096xf32, #tpu.memory_space<hbm>>
    tpu.wait_dma2 semaphore(%arg13 : memref<!tpu.dma_semaphore, #tpu.memory_space<semaphore_mem>>) src(%arg8 : memref<4096xf32, #tpu.memory_space<vmem>>) dst(%dma_wait3A_13 : memref<4096xf32, #tpu.memory_space<hbm>>)
    return
  }
}

</mosaic_0001>

<sc_bundles>
// kernel: kernel.3.cloned.1.call-start
scs
__scs_entry_jumppad:
0x0: {  	(pc) =	sbr.rel $0x88, $3  }
0x1: {  	(tag) =	ssettag $0x0;
	lr =	simm.s32 $0x1  }
0x2: {  	[smem:$0x3F9F] =	sst lr;
	_ =	strace $0xD0000000  }
0x3: {  	_ = 	snop  }
0x4: {  	_ = 	snop  }
0x5: {  	_ = 	snop  }
0x6: {  	_ = 	snop  }
0x7: {  	_ = 	snop  }
__scs_overlays_trampoline_lowered:
0x8: {  	[smem:$0x3FAE] =	sst s0  }
0x9: {  	[smem:$0x3FAF] =	sst s1  }
0xa: {  	[smem:$0x3FB0] =	sst s2  }
0xb: {  	[smem:$0x3FB1] =	sst s3  }
0xc: {  	[smem:$0x3FB2] =	sst s4  }
0xd: {  	[smem:$0x3FB3] =	sst s5  }
0xe: {  	[smem:$0x3FB4] =	sst s6  }
0xf: {  	[smem:$0x3FB5] =	sst s7  }
0x10: {  	[smem:$0x3FB6] =	sst s8  }
0x11: {  	[smem:$0x3FB7] =	sst s9;
	s0 =	simm.s32 @!p0 $0x0  }
0x12: {  	s1 =	sld [smem:$0x3F9D];
	s0 =	simm.s32 @p0 $0x1  }
0x13: {  	[smem:$0x3FB8] =	sst s0;
	s0 =	simm.s32 @!p1 $0x0  }
0x14: {  	s2 =	sld [smem:$0x3F9C];
	s0 =	simm.s32 @p1 $0x1  }
0x15: {  	[smem:$0x3FB9] =	sst s0;
	s0 =	simm.s32 @!p2 $0x0  }
0x16: {  	s3 =	sld [smem:$0x3FDB];
	s0 =	simm.s32 @p2 $0x1  }
0x17: {  	s4 =	simm.s32 $0x1BF5;
	[smem:$0x3FBB] =	sst s0  }
0x18: {  	s0 =	sld [smem:$0x3F9E];
	_ =	swait.ge [sflag:s4], $0x0  }
0x19: {  	s7 =	sld [smem:$0x3F9F]  }
0x1a: {  	s8 =	sadd.s32 $0xFFFFE003, lr  }
0x1b: {  	s9 =	sadd.s32 $0xFFFFFEF7, lr;
	s5 =	simm.s32 $0xFFFFFFFF;
	p2 =	slt.u32 s8, $0xFFFFF086  }
0x1c: {  	p1 =	slt.u32 s9, $0xF7A;
	s5 =	simm.s32 @!p2 $0x0  }
0x1d: {  	s5 =	simm.s32 @p1 $0x1;
	p0 =	seq.s32 s7, s2  }
0x1e: {  	s7 =	smul.u32 @!p0 $0xF7A, s2;
	p2 =	seq.s32 @!p0 s5, $0x0  }
0x1f: {  	s9 =	smul.u32 $0xF7A, s1;
	s8 =	simm.s32 @!p0 $0x1BF5;
	p2 =	por !p2, p0  }
0x20: {  	[sflag:s8] =	ssyncset.s32 @!p0 $0xFFFFF086;
	s6 =	sadd.s32 @!p0 s3, s7;
	s7 =	simm.s32 @!p0 $0x108  }
0x21: {  	s3 =	sadd.s32 s3, s9;
	s6 =	sadd.s32 @!p0 $0x88, s6;
	s7 =	simm.s32 @p2 $0x1082  }
0x22: {  	[simem:s7], [sflag:s8] =	dma.local @!p0 [hbm:s6], $0xF7A  }
0x23: {  	s9 =	sor.u32 $0xD0000000, s2;
	s6 =	simm.s32 $0x108;
	_ =	swait.ge @!p0 [sflag:s8], $0x0  }
0x24: {  	s3 =	sadd.s32 $0x88, s3;
	s6 =	simm.s32 @!p1 $0x1082;
	[sflag:s4] =	ssyncset.s32 $0xFFFFF086  }
0x25: {  	[simem:s6], [sflag:s4] =	dma.local [hbm:s3], $0xF7A  }
0x26: {  	[smem:$0x3F9F] =	sst s1;
	(tag) =	ssettag s2;
	_ =	strace s9  }
0x27: {  	s1 =	sld [smem:$0x3FAF]  }
0x28: {  	s2 =	sld [smem:$0x3FB0]  }
0x29: {  	s4 =	sld [smem:$0x3FB2]  }
0x2a: {  	p0 =	seq.s32 s5, $0x0;
	s5 =	sld [smem:$0x3FB3]  }
0x2b: {  	s6 =	sld [smem:$0x3FB4]  }
0x2c: {  	s7 =	sld [smem:$0x3FB5]  }
0x2d: {  	s3 =	simm.s32 $0x108;
	s8 =	sld [smem:$0x3FB6]  }
0x2e: {  	s3 =	simm.s32 @!p0 $0x1082;
	s9 =	sld [smem:$0x3FB7]  }
0x2f: {  	lr =	sadd.s32 s0, s3;
	s0 =	sld [smem:$0x3FAE]  }
0x30: {  	s3 =	sld [smem:$0x3FB1]  }
0x31: {  	[smem:$0x3FBA] =	sst s10  }
0x32: {  	s10 =	sld [smem:$0x3FB8];
	_ =	sdelay $0x3  }
0x33: {  	p0 =	seq.s32 s10, $0x1;
	s10 =	sld [smem:$0x3FBA];
	_ =	sdelay $0x3  }
0x34: {  	[smem:$0x3FBA] =	sst s10  }
0x35: {  	s10 =	sld [smem:$0x3FB9];
	_ =	sdelay $0x3  }
0x36: {  	p1 =	seq.s32 s10, $0x1;
	s10 =	sld [smem:$0x3FBA];
	_ =	sdelay $0x3  }
0x37: {  	[smem:$0x3FBA] =	sst s10  }
0x38: {  	s10 =	sld [smem:$0x3FBB]  }
0x39: {  	_ = 	snop;
	(pc) =	sbr.ind lr, $3  }
0x3a: {  	_ = 	snop  }
0x3b: {  	_ = 	snop  }
0x3c: {  	p2 =	seq.s32 s10, $0x1;
	s10 =	sld [smem:$0x3FBA]  }
0x3d: {  	_ =	shalt  }
0x3e: {  	_ =	shalt  }
0x3f: {  	_ =	shalt  }
0x40: {  	_ =	shalt  }
0x41: {  	_ =	shalt  }
0x42: {  	_ =	shalt  }
0x43: {  	_ =	shalt  }
0x44: {  	_ =	shalt  }
0x45: {  	_ =	shalt  }
0x46: {  	_ =	shalt  }
0x47: {  	_ =	shalt  }
0x48: {  	_ =	shalt  }
0x49: {  	_ =	shalt  }
0x4a: {  	_ =	shalt  }
0x4b: {  	_ =	shalt  }
0x4c: {  	_ =	shalt  }
0x4d: {  	_ =	shalt  }
0x4e: {  	_ =	shalt  }
0x4f: {  	_ =	shalt  }
0x50: {  	_ =	shalt  }
0x51: {  	_ =	shalt  }
0x52: {  	_ =	shalt  }
0x53: {  	_ =	shalt  }
0x54: {  	_ =	shalt  }
0x55: {  	_ =	shalt  }
0x56: {  	_ =	shalt  }
0x57: {  	_ =	shalt  }
0x58: {  	_ =	shalt  }
0x59: {  	_ =	shalt  }
0x5a: {  	_ =	shalt  }
0x5b: {  	_ =	shalt  }
0x5c: {  	_ =	shalt  }
0x5d: {  	_ =	shalt  }
0x5e: {  	_ =	shalt  }
0x5f: {  	_ =	shalt  }
0x60: {  	_ =	shalt  }
0x61: {  	_ =	shalt  }
0x62: {  	_ =	shalt  }
0x63: {  	_ =	shalt  }
0x64: {  	_ =	shalt  }
0x65: {  	_ =	shalt  }
0x66: {  	_ =	shalt  }
0x67: {  	_ =	shalt  }
0x68: {  	_ =	shalt  }
0x69: {  	_ =	shalt  }
0x6a: {  	_ =	shalt  }
0x6b: {  	_ =	shalt  }
0x6c: {  	_ =	shalt  }
0x6d: {  	_ =	shalt  }
0x6e: {  	_ =	shalt  }
0x6f: {  	_ =	shalt  }
0x70: {  	_ =	shalt  }
0x71: {  	_ =	shalt  }
0x72: {  	_ =	shalt  }
0x73: {  	_ =	shalt  }
0x74: {  	_ =	shalt  }
0x75: {  	_ =	shalt  }
0x76: {  	_ =	shalt  }
0x77: {  	_ =	shalt  }
0x78: {  	_ =	shalt  }
0x79: {  	_ =	shalt  }
0x7a: {  	_ =	shalt  }
0x7b: {  	_ =	shalt  }
0x7c: {  	_ =	shalt  }
0x7d: {  	_ =	shalt  }
0x7e: {  	_ =	shalt  }
0x7f: {  	_ =	shalt  }
0x80: {  	_ =	shalt  }
0x81: {  	_ =	shalt  }
0x82: {  	_ =	shalt  }
0x83: {  	_ =	shalt  }
0x84: {  	_ =	shalt  }
0x85: {  	_ =	shalt  }
0x86: {  	_ =	shalt  }
0x87: {  	_ =	shalt  }
.Lfunc_end0:
.L_simem_size_0:
called_computation_lowered:
.L_overlay_start_0:
0x88: {  	s2 =	sld [smem:$0x3FD9]  }
0x89: {  	s3 =	sld [smem:$0x3FFE];
	_ =	sdelay $0x1  }
0x8a: {  	s1 =	srdreg.scid  }
0x8b: {  	s0 =	sand.u32 $0x1, s1  }
0x8c: {  	s17 =	sshll.u32 s0, $0xA;
	s2 =	sadd.s32 s3, s2  }
0x8d: {  	s2 =	sadd.s32 s2, s17  }
0x8e: {  	[smem:$0x3FC6] =	sst s2  }
0x8f: {  	_ = 	snop  }
0x90: {  	s2 =	sld [smem:$0x3FC9]  }
0x91: {  	s18 =	sld [smem:$0x3FD0];
	(tm) =	ssettm $0x1  }
0x92: {  	s4 =	sld [smem:$0x3FFB];
	_ =	sdelay $0x3  }
0x93: {  	_ =	strace s4  }
0x94: {  	s4 =	sld [smem:$0x3FFC];
	_ =	sdelay $0x3  }
0x95: {  	_ =	strace s4  }
0x96: {  	s4 =	sld [smem:$0x3FFD];
	_ =	sdelay $0x3  }
0x97: {  	_ =	strace s4  }
0x98: {  	_ =	strace $0x8FFFFFFF  }
0x99: {  	s19 =	sld [smem:$0x3FDB];
	_ =	sdelay $0x1  }
0x9a: {  	s5 =	simm.s32 $_scs_section_size  }
0x9b: {  	s6 =	simm.s32 $_size__tile_overlayer_lowered;
	s7 =	simm.s32 $_tile_overlayer_lowered  }
0x9c: {  	s22 =	simm.s32 $0x1BFF;
	s21 =	sshll.u32 s7, $0x1;
	s4 =	sadd.s32 s5, s19  }
0x9d: {  	s8 =	simm.s32 $0x0;
	s20 =	sshll.u32 s6, $0x1;
	s6 =	sadd.s32 s21, s4  }
0x9e: {  	[timem:s8], [sflag:s22] =	dma.local [hbm:s6], s20  }
0x9f: {  	_ =	swait.ge [sflag:s22], s20  }
0xa0: {  	s5 =	ssub.s32 $0x0, s20;
	[sflag:s22] =	ssyncset.done $0x0  }
0xa1: {  	[sflag:s22] =	ssyncadd.s32 s5;
	_ =	sdelay $0x1  }
0xa2: {  	s23 =	simm.s32 $0x1B8B  }
0xa3: {  	_ =	swait.ge [sflag:s23], $0x1  }
0xa4: {  	[sflag:s23] =	ssyncset.done $0x0  }
0xa5: {  	s25 =	simm.s32 $0x1B8E;
	s24 =	sld [smem:$0x3FFE];
	[sflag:s23] =	ssyncadd.s32 $0xFFFFFFFF  }
0xa6: {  	s26 =	simm.s32 $execute0_lowered;
	[smem:$0x3FD2] =	sst s25  }
0xa7: {  	s6 =	sshll.u32 s26, $0x1;
	_ =	strace $0x80000046;
	[dreg:$0x1] =	wrdreg $0xFFFFFFFF  }
0xa8: {  	s28 =	simm.s32 $_size_execute0_lowered;
	s4 =	sadd.s32 s4, s6;
	[dreg:$0x0] =	wrdreg $0x0  }
0xa9: {  	s6 =	sshll.u32 s28, $0x1;
	[dreg:$0x2] =	wrdreg s4  }
0xaa: {  	[dreg:$0x3] =	wrdreg s6  }
0xab: {  	[dreg:$0x4] =	wrdreg $0xC0  }
0xac: {  	_ =	task [dreg:s8], $0x5FFFF  }
0xad: {  	[dreg:$0x1] =	wrdreg $0xFFFFFFFF  }
0xae: {  	[dreg:$0x0] =	wrdreg $0x60  }
0xaf: {  	[dreg:$0x2] =	wrdreg s2  }
0xb0: {  	[dreg:$0x3] =	wrdreg s24  }
0xb1: {  	[dreg:$0x4] =	wrdreg s18  }
0xb2: {  	[dreg:$0x5] =	wrdreg $0x1C7000  }
0xb3: {  	[dreg:$0x6] =	wrdreg $0x9  }
0xb4: {  	_ =	task.clear_ibuf [dreg:s8], $0x7FFFF;
	_ =	strace $0x90000046  }
0xb5: {  	s29 =	simm.s32 $0x9;
	_ =	strace $0x80000048  }
0xb6: {  	_ =	swait.ge [sflag:s29], $0x1  }
0xb7: {  	[sflag:s29] =	ssyncadd.s32 $0xFFFFFFFF  }
0xb8: {  	_ =	strace $0x90000048  }
0xb9: {  	_ =	sfence  }
0xba: {  	s30 =	sld [smem:$0x0];
	_ =	sdelay $0x2  }
0xbb: {  	s31 =	sshll.u32 s1, $0xD;
	s1 =	sshrl.u32 s1, $0x2  }
0xbc: {  	s3 =	sand.u32 $0x4000, s31;
	s1 =	sadd.s32 s1, s30  }
0xbd: {  	s0 =	sor.u32 s3, s0;
	s1 =	sshll.u32 s1, $0x11  }
0xbe: {  	s0 =	sor.u32 s1, s0  }
0xbf: {  	s0 =	sadd.s32 $0x8F2B, s0  }
0xc0: {  	[sflag:s0] =	ssyncadd.remote.s32 $0x1  }
0xc1: {  	_ =	sfence.sel $0xFFFF  }
0xc2: {  	[dreg:$0x0] =	wrdreg $0xFFFFFFFF;
	(pc) =	sbr.abs _section_cstart, $3  }
0xc3: {  	[dreg:$0x1] =	wrdreg $0xFFFFFFFF  }
0xc4: {  	_ =	task.clear_ibuf [dreg:s8], $0x2FFFF;
	_ =	strace $0x9FFFFFFF  }
0xc5: {  	(tm) =	ssettm $0x7FFFFFFF  }
tec
execute0_lowered:
.L_overlay_start_1:
0x0: {  	(tag) =	ssettag $0x1  }
0x1: {  	s0 =	rddreg [dreg:$0x1]  }
0x2: {  	s2 =	rddreg [dreg:$0x2]  }
0x3: {  	s3 =	rddreg [dreg:$0x3]  }
0x4: {  	s5 =	srdreg.scid;
	s4 =	simm.s32 $0x0;
	s1 =	stileid.u32  }
0x5: {  	s14 =	simm.s32 $0x800;
	s15 =	simm.s32 $0x8000;
	s16 =	simm.s32 $0x19F00  }
0x6: {  	s17 =	simm.s32 $0x6;
	s18 =	simm.s32 $0x80;
	s19 =	simm.s32 $0x400  }
0x7: {  	s20 =	simm.s32 $0x18700;
	s21 =	simm.s32 $0x1;
	s22 =	simm.s32 $0x1B700  }
0x8: {  	s24 =	simm.s32 $0x4;
	s5 =	sand.u32 $0x1, s5;
	[smem:$0x7FF] =	sst s4  }
0x9: {  	s6 =	sadd.s32 $0x400, s0;
	s30 =	sshll.u32 s1, $0x8;
	s12 =	sshrl.u32 s1, $0x2  }
0xa: {  	s7 =	ssub.s32 $0x2, s5;
	_ =	strace $0x80000047;
	s11 =	smul.u32 $0xC3800, s12  }
.Ltmp0:
0xb: {  	s5 =	sshll.u32 s5, $0x7;
	s10 =	sand.u32 $0x300, s30;
	(pc) =	sbr.rel .LBB2_1-.Ltmp0, $4  }
0xc: {  	s31 =	sadd.s32 s6, s30;
	s12 =	sshll.u32 s12, $0xF;
	s8 =	sshrl.u32 s7, $0x1  }
0xd: {  	[dreg:$0x5] =	wrdreg s31;
	s10 =	sor.u32 s5, s10;
	s29 =	ssub.s32 s7, s8  }
0xe: {  	s5 =	simm.s32 $0x0;
	s7 =	sshll.u32 s1, $0xB;
	s0 =	smax.u32 s29, $0x1  }
0xf: {  	s11 =	sor.u32 s10, s11;
	s9 =	sadd.s32 s7, s3;
	[dreg:$0x6] =	wrdreg s0  }
.LBB2_9:
0x10: {  	[bflag:$0x0] =	sbarrier.arrive $0xFFFF;
	s1 =	simm.s32 $0x5  }
0x11: {  	_ =	swait.ge [sflag:s1], $0x1000  }
0x12: {  	s5 =	rddreg [dreg:$0x7]  }
0x13: {  	s0 =	rddreg [dreg:$0x6];
	s5 =	sadd.s32 $0x1, s5  }
0x14: {  	p0 =	sne.s32 s5, s0  }
.Ltmp1:
0x15: {  	_ = 	snop;
	(pc) =	sbr.rel @!p0 .LBB2_10-.Ltmp1, $3  }
0x16: {  	_ =	sdelay $0x1  }
0x17: {  	[sflag:s1] =	ssyncset.done $0x0  }
0x18: {  	[sflag:s1] =	ssyncadd.s32 $0xFFFFF000  }
.LBB2_1:
0x19: {  	[dreg:$0x7] =	wrdreg s5  }
0x1a: {  	s0 =	rddreg [dreg:$0x5]  }
0x1b: {  	[tilespmem:s16], [sflag:$0x6] =	stream.strided.gather [hbm4b:s0+s14], $0x1800, s15, s14, $0x38;
	[tilespmem:$0x1F700] =	vst v63  }
0x1c: {  	_ =	swait.ge [sflag:s17], $0x1800  }
0x1d: {  	[sflag:s17] =	ssyncset.done $0x0  }
0x1e: {  	s26 =	simm.s32 $0x0;
	s0 =	smov.u32 s9;
	[sflag:s17] =	ssyncadd.s32 $0xFFFFE800  }
.LBB2_2:
0x1f: {  	[spmem:s0] =	stream.strided.scatter [tilespmem:s16], [sflag:$0x6], $0x1800, s15, s14, $0x38;
	[tilespmem:$0x1F700] =	vst v63  }
0x20: {  	_ =	swait.ge [sflag:s17], $0x1800  }
0x21: {  	s25 =	smul.u32 $0x30E000, s26;
	[sflag:s17] =	ssyncset.done $0x0  }
0x22: {  	[sflag:s17] =	ssyncadd.s32 $0xFFFFE800  }
0x23: {  	s0 =	sadd.s32 s11, s25;
	[bflag:$0x0] =	sbarrier.arrive $0xFFFF  }
0x24: {  	s0 =	sshrl.u32 s0, $0x3;
	s1 =	rddreg [dreg:$0x0]  }
0x25: {  	s30 =	sand.u32 $0x1, s26;
	s0 =	sadd.s32 s1, s0  }
0x26: {  	[tilespmem:s4], [sflag:$0x1] =	stream.strided.gather [hbm4b:s0+s18], $0x18700, s19, s18, $0x38;
	[tilespmem:$0x1F700] =	vst v63  }
0x27: {  	p0 =	seq.s32 s30, $0x1;
	s0 =	simm.s32 $0x18000  }
0x28: {  	s28 =	sadd.s32 $0x1, s26;
	s0 =	simm.s32 @!p0 $0x0;
	p0 =	seq.s32 s26, $0x19  }
0x29: {  	s29 =	sadd.s32 s0, s3;
	s0 =	smul.u32 @!p0 $0x18000, s28  }
0x2a: {  	[tilespmem:s20], [sflag:$0x2] =	stream.strided.gather [spmem:s29], $0xC00, s15, s19, $0x38;
	[tilespmem:$0x1F700] =	vst v63  }
0x2b: {  	s0 =	sor.u32 @!p0 s7, s0  }
0x2c: {  	s5 =	simm.s32 @!p0 $0x800;
	s0 =	sshrl.u32 @!p0 s0, $0x3  }
0x2d: {  	s8 =	simm.s32 @!p0 $0x8000;
	s13 =	simm.s32 @!p0 $0x19F00;
	s0 =	sadd.s32 @!p0 s6, s0  }
0x2e: {  	[tilespmem:s13], [sflag:$0x4] =	stream.strided.gather @!p0 [hbm4b:s0+s5], $0x1800, s8, s5, $0x38;
	[tilespmem:$0x1F700] =	vst v63  }
0x2f: {  	_ =	swait.ge [sflag:s21], $0x18700  }
0x30: {  	p1 =	seq.s32 s26, $0x0;
	[sflag:s21] =	ssyncset.done $0x0  }
0x31: {  	s0 =	simm.s32 @!p1 $0x5;
	[sflag:s21] =	ssyncadd.s32 $0xFFFE7900  }
0x32: {  	_ =	swait.ge @!p1 [sflag:s0], $0x1000  }
0x33: {  	s31 =	simm.s32 $0x0;
	[sflag:s0] =	ssyncset.done @!p1 $0x0  }
0x34: {  	s13 =	simm.s32 $0x1B710;
	[sflag:s0] =	ssyncadd.s32 @!p1 $0xFFFFF000;
	p1 =	por $0x0, $0x0  }
.LBB2_4:
0x35: {  	s0 =	smov.u32 s31  }
0x36: {  	s31 =	sadd.s32 $0x1, s31;
	p2 =	seq.s32 s0, $0x1F  }
0x37: {  	s8 =	simm.s32 $0x1;
	s5 =	sand.u32 @!p2 $0x1, s31  }
0x38: {  	s8 =	simm.s32 @!p1 $0x0;
	s30 =	smul.u32 @!p2 $0x3000, s5  }
0x39: {  	s0 =	sand.u32 $0x1, s0;
	s23 =	sshll.u32 @!p2 s31, $0xA;
	s25 =	simm.s32 @!p2 $0x400  }
0x3a: {  	s1 =	simm.s32 @!p2 $0x8000;
	s23 =	sand.u32 @!p2 $0x3FFFFC00, s23;
	s30 =	sshrl.u32 @!p2 s30, $0x2  }
0x3b: {  	s5 =	sor.u32 @!p2 $0x2, s5;
	s23 =	sadd.s32 @!p2 s23, s29;
	s30 =	sadd.s32 @!p2 $0x18700, s30  }
0x3c: {  	[tilespmem:s30], [sflag:s5] =	stream.strided.gather @!p2 [spmem:s23], $0xC00, s1, s25, $0x38;
	[tilespmem:$0x1F700] =	vst v63  }
0x3d: {  	s8 =	smul.u32 $0x3000, s8;
	s23 =	sor.u32 $0x2, s0  }
0x3e: {  	_ =	swait.ge [sflag:s23], $0xC00  }
0x3f: {  	s25 =	sshrl.u32 s8, $0x2;
	[sflag:s23] =	ssyncset.done $0x0  }
0x40: {  	s0 =	sadd.s32 $0x18C00, s25;
	[sflag:s23] =	ssyncadd.s32 $0xFFFFF400  }
0x41: {  	v0 =	vld [tilespmem:s0+$0x480]  }
0x42: {  	v1 =	vld [tilespmem:s0+$0x400]  }
0x43: {  	v2 =	vld [tilespmem:s0+$0x380]  }
0x44: {  	v3 =	vld [tilespmem:s0+$0x300]  }
0x45: {  	v4 =	vld [tilespmem:s0+$0x280]  }
0x46: {  	v5 =	vld [tilespmem:s0+$0x200]  }
0x47: {  	v6 =	vld [tilespmem:s0+$0x180]  }
0x48: {  	v7 =	vld [tilespmem:s0+$0x100]  }
0x49: {  	v8 =	vld [tilespmem:s0+$0x80]  }
0x4a: {  	v9 =	vld [tilespmem:s0+$0x0]  }
0x4b: {  	v10 =	vld [tilespmem:s0+$0xFFFFFF80]  }
0x4c: {  	v11 =	vld [tilespmem:s0+$0xFFFFFF00]  }
0x4d: {  	v12 =	vld [tilespmem:s0+$0xFFFFFB00]  }
0x4e: {  	v13 =	vld [tilespmem:s0+$0xFFFFFC80]  }
0x4f: {  	v14 =	vld [tilespmem:s0+$0xFFFFFC00]  }
0x50: {  	v15 =	vld [tilespmem:s0+$0xFFFFFB80]  }
0x51: {  	v16 =	vld [tilespmem:s0+$0xFFFFFD00]  }
0x52: {  	v17 =	vld [tilespmem:s0+$0xFFFFFD80]  }
0x53: {  	v18 =	vld [tilespmem:s0+$0xFFFFFE00]  }
0x54: {  	v19 =	vld [tilespmem:s0+$0xFFFFFE80]  }
0x55: {  	v12 =	vld.idx.msk [tilespmem:v12+s4+$0x0], $0xffff  }
0x56: {  	v13 =	vld.idx.msk [tilespmem:v13+s4+$0x0], $0xffff  }
0x57: {  	v14 =	vld.idx.msk [tilespmem:v14+s4+$0x0], $0xffff  }
0x58: {  	v15 =	vld.idx.msk [tilespmem:v15+s4+$0x0], $0xffff  }
0x59: {  	v16 =	vld.idx.msk [tilespmem:v16+s4+$0x0], $0xffff  }
0x5a: {  	v17 =	vld.idx.msk [tilespmem:v17+s4+$0x0], $0xffff  }
0x5b: {  	v18 =	vld.idx.msk [tilespmem:v18+s4+$0x0], $0xffff  }
0x5c: {  	v19 =	vld.idx.msk [tilespmem:v19+s4+$0x0], $0xffff  }
0x5d: {  	v11 =	vld.idx.msk [tilespmem:v11+s4+$0x0], $0xffff;
	v12 =	vadd.f32 v14, v12;
	v13 =	vadd.f32 v13, v15  }
0x5e: {  	v10 =	vld.idx.msk [tilespmem:v10+s4+$0x0], $0xffff  }
0x5f: {  	v9 =	vld.idx.msk [tilespmem:v9+s4+$0x0], $0xffff;
	v12 =	vadd.f32 v16, v12;
	v13 =	vadd.f32 v17, v13  }
0x60: {  	v8 =	vld.idx.msk [tilespmem:v8+s4+$0x0], $0xffff  }
0x61: {  	v7 =	vld.idx.msk [tilespmem:v7+s4+$0x0], $0xffff;
	v12 =	vadd.f32 v18, v12;
	v13 =	vadd.f32 v19, v13  }
0x62: {  	v6 =	vld.idx.msk [tilespmem:v6+s4+$0x0], $0xffff  }
0x63: {  	v5 =	vld.idx.msk [tilespmem:v5+s4+$0x0], $0xffff;
	v11 =	vadd.f32 v11, v12;
	v10 =	vadd.f32 v10, v13  }
0x64: {  	v4 =	vld.idx.msk [tilespmem:v4+s4+$0x0], $0xffff  }
0x65: {  	v3 =	vld.idx.msk [tilespmem:v3+s4+$0x0], $0xffff;
	v9 =	vadd.f32 v9, v11;
	v8 =	vadd.f32 v8, v10  }
0x66: {  	v2 =	vld.idx.msk [tilespmem:v2+s4+$0x0], $0xffff  }
0x67: {  	v0 =	vld.idx.msk [tilespmem:v0+s4+$0x0], $0xffff;
	v7 =	vadd.f32 v7, v9;
	v6 =	vadd.f32 v6, v8  }
0x68: {  	v1 =	vld.idx.msk [tilespmem:v1+s4+$0x0], $0xffff  }
0x69: {  	v5 =	vadd.f32 v5, v7;
	v4 =	vadd.f32 v4, v6;
	_ =	sdelay $0x1  }
0x6a: {  	v3 =	vadd.f32 v3, v5;
	v2 =	vadd.f32 v2, v4;
	_ =	sdelay $0x1  }
0x6b: {  	v1 =	vadd.f32 v1, v3;
	v0 =	vadd.f32 v0, v2;
	_ =	sdelay $0x1  }
0x6c: {  	v0 =	vadd.f32 v0, v1;
	_ =	sdelay $0x1  }
0x6d: {  	[tilespmem:s13+$0xFFFFFFF0] =	vst v0  }
0x6e: {  	v0 =	vld [tilespmem:s0+$0x390]  }
0x6f: {  	v1 =	vld [tilespmem:s0+$0x310]  }
0x70: {  	v7 =	vld [tilespmem:s0+$0x10]  }
0x71: {  	v8 =	vld [tilespmem:s0+$0x290]  }
0x72: {  	v12 =	vld [tilespmem:s0+$0x210]  }
0x73: {  	v2 =	vld [tilespmem:s0+$0x190]  }
0x74: {  	v6 =	vld [tilespmem:s0+$0x110]  }
0x75: {  	v3 =	vld [tilespmem:s0+$0xFFFFFE10]  }
0x76: {  	v10 =	vld [tilespmem:s0+$0xFFFFFF90]  }
0x77: {  	v5 =	vld [tilespmem:s0+$0xFFFFFF10]  }
0x78: {  	v11 =	vld [tilespmem:s0+$0xFFFFFD10]  }
0x79: {  	v13 =	vld [tilespmem:s0+$0xFFFFFD90]  }
0x7a: {  	v9 =	vld [tilespmem:s0+$0xFFFFFC10]  }
0x7b: {  	v14 =	vld [tilespmem:s0+$0xFFFFFE90]  }
0x7c: {  	v15 =	vld [tilespmem:s0+$0x90]  }
0x7d: {  	v16 =	vld [tilespmem:s0+$0xFFFFFB90]  }
0x7e: {  	v17 =	vld [tilespmem:s0+$0xFFFFFC90]  }
0x7f: {  	v18 =	vld [tilespmem:s0+$0xFFFFFB10]  }
0x80: {  	v4 =	vld.idx.msk [tilespmem:v3+s4+$0x0], $0xffff  }
0x81: {  	v3 =	vld.idx.msk [tilespmem:v5+s4+$0x0], $0xffff  }
0x82: {  	v19 =	vld.idx.msk [tilespmem:v9+s4+$0x0], $0xffff  }
0x83: {  	v9 =	vld.idx.msk [tilespmem:v14+s4+$0x0], $0xffff  }
0x84: {  	v5 =	vld.idx.msk [tilespmem:v15+s4+$0x0], $0xffff  }
0x85: {  	v11 =	vld.idx.msk [tilespmem:v11+s4+$0x0], $0xffff  }
0x86: {  	v15 =	vld.idx.msk [tilespmem:v16+s4+$0x0], $0xffff  }
0x87: {  	v14 =	vld.idx.msk [tilespmem:v13+s4+$0x0], $0xffff  }
0x88: {  	v16 =	vld.idx.msk [tilespmem:v17+s4+$0x0], $0xffff  }
0x89: {  	v17 =	vld.idx.msk [tilespmem:v18+s4+$0x0], $0xffff  }
0x8a: {  	v6 =	vld.idx.msk [tilespmem:v6+s4+$0x0], $0xffff  }
0x8b: {  	v13 =	vld.idx.msk [tilespmem:v10+s4+$0x0], $0xffff  }
0x8c: {  	v10 =	vld.idx.msk [tilespmem:v7+s4+$0x0], $0xffff  }
0x8d: {  	v7 =	vld.idx.msk [tilespmem:v8+s4+$0x0], $0xffff  }
0x8e: {  	v8 =	vld.idx.msk [tilespmem:v12+s4+$0x0], $0xffff;
	v16 =	vadd.f32 v16, v15  }
0x8f: {  	s8 =	simm.s32 $0x0;
	s5 =	smov.u32 s13;
	s30 =	smov.u32 s13;
	v12 =	vld [tilespmem:s0+$0x410];
	v15 =	vadd.f32 v19, v17  }
.LBB2_5:
0x90: {  	s8 =	sadd.s32 $0x2, s8;
	v14 =	vadd.f32 v14, v16;
	v16 =	vld [tilespmem:s0+$0x490];
	s5 =	sadd.s32 $0x20, s5;
	s0 =	sadd.s32 $0x20, s0  }
0x91: {  	p2 =	slt.u32 s8, $0x6;
	v11 =	vadd.f32 v11, v15  }
0x92: {  	v9 =	vadd.f32 v9, v14;
	v2 =	vld.idx.msk [tilespmem:v2+s4+$0x0], $0xffff  }
0x93: {  	v4 =	vadd.f32 v4, v11  }
0x94: {  	v9 =	vadd.f32 v13, v9;
	v1 =	vld.idx.msk [tilespmem:v1+s4+$0x0], $0xffff  }
0x95: {  	v3 =	vadd.f32 v3, v4  }
0x96: {  	v4 =	vadd.f32 v5, v9;
	v0 =	vld.idx.msk [tilespmem:v0+s4+$0x0], $0xffff  }
0x97: {  	v3 =	vadd.f32 v10, v3  }
0x98: {  	v2 =	vadd.f32 v2, v4;
	v4 =	vld.idx.msk [tilespmem:v16+s4+$0x0], $0xffff  }
0x99: {  	v3 =	vadd.f32 v6, v3;
	v5 =	vld.idx.msk [tilespmem:v12+s4+$0x0], $0xffff  }
0x9a: {  	v2 =	vadd.f32 v7, v2  }
0x9b: {  	v3 =	vadd.f32 v8, v3  }
0x9c: {  	v0 =	vadd.f32 v0, v2  }
0x9d: {  	v1 =	vadd.f32 v1, v3  }
0x9e: {  	v0 =	vadd.f32 v4, v0  }
0x9f: {  	v1 =	vadd.f32 v5, v1;
	_ =	sdelay $0x1  }
0xa0: {  	v0 =	vadd.f32 v0, v1;
	_ =	sdelay $0x1  }
0xa1: {  	[tilespmem:s30+$0x0] =	vst v0;
	s30 =	smov.u32 s5  }
0xa2: {  	v0 =	vld [tilespmem:s0+$0x480]  }
0xa3: {  	v1 =	vld [tilespmem:s0+$0x400]  }
0xa4: {  	v2 =	vld [tilespmem:s0+$0x380]  }
0xa5: {  	v3 =	vld [tilespmem:s0+$0x300]  }
0xa6: {  	v4 =	vld [tilespmem:s0+$0x280]  }
0xa7: {  	v5 =	vld [tilespmem:s0+$0x200]  }
0xa8: {  	v6 =	vld [tilespmem:s0+$0x180]  }
0xa9: {  	v7 =	vld [tilespmem:s0+$0x100]  }
0xaa: {  	v8 =	vld [tilespmem:s0+$0x80]  }
0xab: {  	v9 =	vld [tilespmem:s0+$0x0]  }
0xac: {  	v10 =	vld [tilespmem:s0+$0xFFFFFF80]  }
0xad: {  	v11 =	vld [tilespmem:s0+$0xFFFFFF00]  }
0xae: {  	v12 =	vld [tilespmem:s0+$0xFFFFFB00]  }
0xaf: {  	v13 =	vld [tilespmem:s0+$0xFFFFFC80]  }
0xb0: {  	v14 =	vld [tilespmem:s0+$0xFFFFFC00]  }
0xb1: {  	v15 =	vld [tilespmem:s0+$0xFFFFFB80]  }
0xb2: {  	v16 =	vld [tilespmem:s0+$0xFFFFFD00]  }
0xb3: {  	v17 =	vld [tilespmem:s0+$0xFFFFFD80]  }
0xb4: {  	v18 =	vld [tilespmem:s0+$0xFFFFFE00]  }
0xb5: {  	v19 =	vld [tilespmem:s0+$0xFFFFFE80]  }
0xb6: {  	v12 =	vld.idx.msk [tilespmem:v12+s4+$0x0], $0xffff  }
0xb7: {  	v13 =	vld.idx.msk [tilespmem:v13+s4+$0x0], $0xffff  }
0xb8: {  	v14 =	vld.idx.msk [tilespmem:v14+s4+$0x0], $0xffff  }
0xb9: {  	v15 =	vld.idx.msk [tilespmem:v15+s4+$0x0], $0xffff  }
0xba: {  	v16 =	vld.idx.msk [tilespmem:v16+s4+$0x0], $0xffff  }
0xbb: {  	v17 =	vld.idx.msk [tilespmem:v17+s4+$0x0], $0xffff  }
0xbc: {  	v18 =	vld.idx.msk [tilespmem:v18+s4+$0x0], $0xffff  }
0xbd: {  	v19 =	vld.idx.msk [tilespmem:v19+s4+$0x0], $0xffff  }
0xbe: {  	v12 =	vadd.f32 v14, v12;
	v11 =	vld.idx.msk [tilespmem:v11+s4+$0x0], $0xffff  }
0xbf: {  	v13 =	vadd.f32 v13, v15;
	v10 =	vld.idx.msk [tilespmem:v10+s4+$0x0], $0xffff  }
0xc0: {  	v12 =	vadd.f32 v16, v12;
	v9 =	vld.idx.msk [tilespmem:v9+s4+$0x0], $0xffff  }
0xc1: {  	v13 =	vadd.f32 v17, v13;
	v8 =	vld.idx.msk [tilespmem:v8+s4+$0x0], $0xffff  }
0xc2: {  	v12 =	vadd.f32 v18, v12;
	v7 =	vld.idx.msk [tilespmem:v7+s4+$0x0], $0xffff  }
0xc3: {  	v13 =	vadd.f32 v19, v13;
	v6 =	vld.idx.msk [tilespmem:v6+s4+$0x0], $0xffff  }
0xc4: {  	v11 =	vadd.f32 v11, v12;
	v5 =	vld.idx.msk [tilespmem:v5+s4+$0x0], $0xffff  }
0xc5: {  	v10 =	vadd.f32 v10, v13;
	v4 =	vld.idx.msk [tilespmem:v4+s4+$0x0], $0xffff  }
0xc6: {  	v9 =	vadd.f32 v9, v11;
	v3 =	vld.idx.msk [tilespmem:v3+s4+$0x0], $0xffff  }
0xc7: {  	v8 =	vadd.f32 v8, v10;
	v2 =	vld.idx.msk [tilespmem:v2+s4+$0x0], $0xffff  }
0xc8: {  	v7 =	vadd.f32 v7, v9;
	v0 =	vld.idx.msk [tilespmem:v0+s4+$0x0], $0xffff  }
0xc9: {  	v6 =	vadd.f32 v6, v8;
	v1 =	vld.idx.msk [tilespmem:v1+s4+$0x0], $0xffff  }
0xca: {  	v5 =	vadd.f32 v5, v7  }
0xcb: {  	v4 =	vadd.f32 v4, v6  }
0xcc: {  	v3 =	vadd.f32 v3, v5  }
0xcd: {  	v2 =	vadd.f32 v2, v4;
	_ =	sdelay $0x1  }
0xce: {  	v1 =	vadd.f32 v1, v3;
	v0 =	vadd.f32 v0, v2;
	_ =	sdelay $0x1  }
0xcf: {  	v0 =	vadd.f32 v0, v1;
	_ =	sdelay $0x1  }
0xd0: {  	[tilespmem:s5+$0xFFFFFFF0] =	vst v0  }
0xd1: {  	v0 =	vld [tilespmem:s0+$0x390]  }
0xd2: {  	v1 =	vld [tilespmem:s0+$0x310]  }
0xd3: {  	v7 =	vld [tilespmem:s0+$0x10]  }
0xd4: {  	v8 =	vld [tilespmem:s0+$0x290]  }
0xd5: {  	v12 =	vld [tilespmem:s0+$0x210]  }
0xd6: {  	v2 =	vld [tilespmem:s0+$0x190]  }
0xd7: {  	v6 =	vld [tilespmem:s0+$0x110]  }
0xd8: {  	v3 =	vld [tilespmem:s0+$0xFFFFFE10]  }
0xd9: {  	v10 =	vld [tilespmem:s0+$0xFFFFFF90]  }
0xda: {  	v5 =	vld [tilespmem:s0+$0xFFFFFF10]  }
0xdb: {  	v11 =	vld [tilespmem:s0+$0xFFFFFD10]  }
0xdc: {  	v13 =	vld [tilespmem:s0+$0xFFFFFD90]  }
0xdd: {  	v9 =	vld [tilespmem:s0+$0xFFFFFC10]  }
0xde: {  	v14 =	vld [tilespmem:s0+$0xFFFFFE90]  }
0xdf: {  	v15 =	vld [tilespmem:s0+$0x90]  }
0xe0: {  	v4 =	vld.idx.msk [tilespmem:v3+s4+$0x0], $0xffff  }
0xe1: {  	v16 =	vld [tilespmem:s0+$0xFFFFFB90]  }
0xe2: {  	v3 =	vld.idx.msk [tilespmem:v5+s4+$0x0], $0xffff  }
0xe3: {  	v17 =	vld [tilespmem:s0+$0xFFFFFC90]  }
0xe4: {  	v18 =	vld [tilespmem:s0+$0xFFFFFB10]  }
0xe5: {  	v19 =	vld.idx.msk [tilespmem:v9+s4+$0x0], $0xffff  }
0xe6: {  	v9 =	vld.idx.msk [tilespmem:v14+s4+$0x0], $0xffff  }
0xe7: {  	v5 =	vld.idx.msk [tilespmem:v15+s4+$0x0], $0xffff  }
0xe8: {  	v11 =	vld.idx.msk [tilespmem:v11+s4+$0x0], $0xffff  }
0xe9: {  	v15 =	vld.idx.msk [tilespmem:v16+s4+$0x0], $0xffff  }
0xea: {  	v14 =	vld.idx.msk [tilespmem:v13+s4+$0x0], $0xffff  }
0xeb: {  	v16 =	vld.idx.msk [tilespmem:v17+s4+$0x0], $0xffff  }
0xec: {  	v17 =	vld.idx.msk [tilespmem:v18+s4+$0x0], $0xffff  }
0xed: {  	v6 =	vld.idx.msk [tilespmem:v6+s4+$0x0], $0xffff  }
.Ltmp2:
0xee: {  	v13 =	vld.idx.msk [tilespmem:v10+s4+$0x0], $0xffff;
	(pc) =	sbr.rel @p2 .LBB2_5-.Ltmp2, $4  }
0xef: {  	v10 =	vld.idx.msk [tilespmem:v7+s4+$0x0], $0xffff  }
0xf0: {  	v7 =	vld.idx.msk [tilespmem:v8+s4+$0x0], $0xffff  }
0xf1: {  	v16 =	vadd.f32 v16, v15;
	v8 =	vld.idx.msk [tilespmem:v12+s4+$0x0], $0xffff  }
0xf2: {  	v15 =	vadd.f32 v19, v17;
	v12 =	vld [tilespmem:s0+$0x410]  }
0xf3: {  	_ = 	snop  }
0xf4: {  	v14 =	vadd.f32 v14, v16;
	v11 =	vadd.f32 v11, v15  }
0xf5: {  	v60 =	vld [tilespmem:s0+$0x490]  }
0xf6: {  	v9 =	vadd.f32 v9, v14;
	v4 =	vadd.f32 v4, v11  }
0xf7: {  	v2 =	vld.idx.msk [tilespmem:v2+s4+$0x0], $0xffff  }
0xf8: {  	v9 =	vadd.f32 v13, v9;
	v3 =	vadd.f32 v3, v4;
	_ =	sdelay $0x1  }
0xf9: {  	v1 =	vld.idx.msk [tilespmem:v1+s4+$0x0], $0xffff;
	v61 =	vadd.f32 v5, v9;
	v3 =	vadd.f32 v10, v3  }
0xfa: {  	v0 =	vld.idx.msk [tilespmem:v0+s4+$0x0], $0xffff  }
0xfb: {  	v63 =	vld.idx.msk [tilespmem:v12+s4+$0x0], $0xffff;
	v2 =	vadd.f32 v2, v61;
	v3 =	vadd.f32 v6, v3  }
0xfc: {  	v62 =	vld.idx.msk [tilespmem:v60+s4+$0x0], $0xffff  }
0xfd: {  	v2 =	vadd.f32 v7, v2;
	v3 =	vadd.f32 v8, v3;
	_ =	sdelay $0x1  }
0xfe: {  	v0 =	vadd.f32 v0, v2;
	v1 =	vadd.f32 v1, v3;
	_ =	sdelay $0x1  }
0xff: {  	v0 =	vadd.f32 v62, v0;
	v1 =	vadd.f32 v63, v1;
	_ =	sdelay $0x1  }
0x100: {  	v0 =	vadd.f32 v0, v1;
	_ =	sdelay $0x1  }
0x101: {  	[tilespmem:s30+$0x0] =	vst v0  }
0x102: {  	p2 =	seq.s32 s31, $0x20  }
.Ltmp3:
0x103: {  	_ = 	snop;
	(pc) =	sbr.rel @!p2 .LBB2_4-.Ltmp3, $2  }
0x104: {  	_ =	sdelay $0x2  }
0x105: {  	s13 =	sadd.s32 $0x80, s13;
	p1 =	por !p1, !p1  }
0x106: {  	s0 =	sshll.u32 s26, $0x11  }
.Ltmp4:
0x107: {  	s0 =	sor.u32 s0, s12;
	(pc) =	sbr.rel @p0 .LBB2_9-.Ltmp4, $4  }
0x108: {  	s0 =	sor.u32 s10, s0  }
0x109: {  	s0 =	sshrl.u32 s0, $0x3  }
0x10a: {  	s0 =	sadd.s32 s2, s0  }
0x10b: {  	[hbm4b:s0+s18] =	stream.strided.scatter [tilespmem:s22], [sflag:$0x5], $0x1000, s19, s18, $0x38;
	[tilespmem:$0x1F700] =	vst v63  }
.Ltmp5:
0x10c: {  	(pc) =	sbr.rel .LBB2_2-.Ltmp5, $4  }
0x10d: {  	s0 =	sand.u32 $0x1, s28  }
0x10e: {  	_ =	swait.ge [sflag:s24], $0x1800;
	p0 =	seq.s32 s0, $0x1;
	s0 =	simm.s32 $0x18000  }
0x10f: {  	[sflag:s24] =	ssyncset.done $0x0;
	s0 =	simm.s32 @!p0 $0x0  }
0x110: {  	s26 =	smov.u32 s28;
	[sflag:s24] =	ssyncadd.s32 $0xFFFFE800;
	s0 =	sadd.s32 s0, s9  }
.LBB2_10:
0x111: {  	_ =	sfence.sel $0x180000  }
0x112: {  	[bflag:$0x0] =	sbarrier.arrive $0xFFFF  }
0x113: {  	_ =	strace $0x90000047  }
0x114: {  	s0 =	stileid.u32;
	[bflag:$0x2] =	sbarrier.arrive $0xFFFF  }
0x115: {  	p0 =	sne.s32 s0, $0x0;
	s0 =	rddreg [dreg:$0x4]  }
0x116: {  	s0 =	sadd.s32 @!p0 $0x100000, s0  }
0x117: {  	[sflag:s0] =	ssyncadd.tile.s32 @!p0 $0x1;
	_ =	shalt  }
.Lfunc_end2:
_tile_overlayer_lowered:
.L_overlay_start_2:
0x118: {  	(tag) =	ssettag $0x2  }
0x119: {  	s0 =	rddreg [dreg:$0x0];
	s2 =	stileid.u32  }
0x11a: {  	s1 =	rddreg [dreg:$0x1];
	p0 =	sne.s32 s2, $0x0  }
0x11b: {  	s3 =	rddreg [dreg:$0x2];
	[bflag:$0x3] =	sbarrier.arrive $0xFFFF;
	s2 =	simm.s32 @!p0 $0x1C06  }
0x11c: {  	[timem:s3], [sflag:s2] =	dma.local @!p0 [hbm:s0], s1  }
0x11d: {  	s0 =	simm.s32 @!p0 $0x6  }
0x11e: {  	_ =	swait.ge @!p0 [sflag:s0], s1  }
0x11f: {  	s1 =	ssub.s32 @!p0 $0x0, s1;
	[sflag:s0] =	ssyncset.done @!p0 $0x0  }
0x120: {  	[sflag:s0] =	ssyncadd.s32 @!p0 s1  }
0x121: {  	[bflag:$0x3] =	sbarrier.arrive $0xFFFF  }
0x122: {  	_ =	shalt  }

</sc_bundles>
